<compile_context>
chip_gen: v7x
topology: tpu7x:2x2x1
jax: 0.10.2.dev20260603
libtpu: 0.0.44.dev20260713+nightly
codegen_flags: <defaults>
</compile_context>

<pallas_src>
import functools

import jax
import jax.numpy as jnp
from jax import lax
from jax.experimental import pallas as pl
from jax.experimental.pallas import tpu as pltpu
from jax.experimental.pallas import tpu_sc as plsc

M = 16384
J = 2
K = 20
C = 32
ROW = K * C

NC, NS, L = 2, 16, 16
NW = NC * NS
M_PER_TILE = M // NW
MB = M_PER_TILE // L
G_PER_TILE = M_PER_TILE // 128
MG = M // 128

_mesh = plsc.VectorSubcoreMesh(core_axis_name="c", subcore_axis_name="s")


@functools.partial(
    pl.kernel,
    mesh=_mesh,
    out_type=jax.ShapeDtypeStruct((K, MG, J, 128), jnp.float32),
    scratch_types=[
        pltpu.VMEM((J * ROW,), jnp.float32),
        pltpu.VMEM((G_PER_TILE, J, 128), jnp.int32),
        pltpu.VMEM((K, G_PER_TILE, J, 128), jnp.float32),
        pltpu.SemaphoreType.DMA,
        pltpu.SemaphoreType.DMA,
    ],
    compiler_params=pltpu.CompilerParams(needs_layout_passes=False),
)
def _sc_gather(slab_hbm, idx1_hbm, out_hbm, slab_v, idx1_v, outbuf_v,
               sem_slab, sem_idx):
    wid = lax.axis_index("s") * NC + lax.axis_index("c")

    cp_slab = pltpu.async_copy(slab_hbm, slab_v, sem_slab)
    cp_idx = pltpu.async_copy(
        idx1_hbm.at[pl.ds(wid * G_PER_TILE, G_PER_TILE)], idx1_v, sem_idx)
    cp_idx.wait()
    cp_slab.wait()

    @plsc.parallel_loop(0, MB, unroll=2)
    def body(b):
        grp = b // 8
        lo = (b % 8) * L
        for j in range(J):
            g = idx1_v[grp, j, pl.ds(lo, L)]
            for k in range(K):
                val = plsc.load_gather(slab_v, [g + (j * ROW + k * C)])
                outbuf_v[k, grp, j, pl.ds(lo, L)] = val

    pltpu.sync_copy(outbuf_v, out_hbm.at[:, pl.ds(wid * G_PER_TILE, G_PER_TILE)])


def kernel(x, index1, index2):
    i2 = index2.astype(jnp.int32)
    slab = jnp.take(x, i2, axis=0, mode="clip").reshape(-1)
    i1 = index1.astype(jnp.int32).reshape(MG, 128, J).transpose(0, 2, 1)
    out4 = _sc_gather(slab, i1)
    return out4.transpose(1, 3, 2, 0).reshape(M, J, K)

# --- scband reference (transcript-rebuilt; emitter-appended) ---
"""Pipeline reference for scband-index-tensor-multi-input-non-contiguous-dynamic-86492051407092 (READ-ONLY COPY).

The authoritative reference and input builder live on the scoring server;
editing this copy changes nothing except your own understanding.
"""

import jax, jax.numpy as jnp
import numpy as np


def setup_inputs(seed: int = 0) -> dict:
    key = jax.random.key(seed)
    k1, k2, k3 = jax.random.split(key, 3)
    x = jax.random.normal(k1, (100000, 20, 32), dtype=jnp.float32)
    index1 = jax.random.randint(k2, (16384, 2), 0, 32, dtype=jnp.int64)
    index2 = jax.random.randint(k3, (2,), 0, 100000, dtype=jnp.int64)
    return {"x": x, "index1": index1, "index2": index2}


def reference(x, index1, index2):
    # torch.ops.aten.index(x, (index2, None, index1))
    # Advanced indices at dims 0 and 2 separated by a slice (None) ->
    # non-contiguous advanced indexing: broadcasted index dims go FIRST,
    # followed by the sliced dim. index2 [2] broadcasts with index1 [M, 2]
    # to [M, 2]; result shape is [M, 2, x.shape[1]].
    i2 = jnp.broadcast_to(index2, index1.shape)
    out = x[i2, :, index1]
    return out

if __name__ == "__main__":
    import jax
    _d = setup_inputs()
    print(jax.jit(kernel)(*tuple(_d.values())))

</pallas_src>

<mosaic_0001>
#map = affine_map<(d0, d1) -> (0)>
#map1 = affine_map<(d0, d1) -> (0, 0, 0)>
#map2 = affine_map<(d0, d1) -> (0, 0, 0, 0)>
module attributes {stable_mosaic.version = 14 : i64} {
  func.func @_sc_gather(%arg0: i32, %arg1: i32, %arg2: memref<1280xf32, #tpu.memory_space<hbm>>, %arg3: memref<128x2x128xi32, #tpu.memory_space<hbm>>, %arg4: memref<20x128x2x128xf32, #tpu.memory_space<hbm>>, %arg5: memref<1280xf32, #tpu.memory_space<vmem>>, %arg6: memref<4x2x128xi32, #tpu.memory_space<vmem>>, %arg7: memref<20x4x2x128xf32, #tpu.memory_space<vmem>>, %arg8: memref<!tpu.dma_semaphore, #tpu.memory_space<semaphore_mem>>, %arg9: memref<!tpu.dma_semaphore, #tpu.memory_space<semaphore_mem>>) attributes {dimension_semantics = [#tpu.dimension_semantics<core_parallel>, #tpu.dimension_semantics<subcore_parallel>], iteration_bounds = array<i64: 2, 16>, scalar_prefetch = 0 : i64, scratch_operands = 5 : i64, tpu.core_type = #tpu.core_type<sc_vector_subcore>, window_params = [{transform_indices = #map}, {transform_indices = #map1}, {transform_indices = #map2}]} {
    %mul3A = arith.constant 2 : i32
    %mul3A_0 = arith.muli %arg1, %mul3A : i32
    %add3A = arith.addi %mul3A_0, %arg0 : i32
    tpu.enqueue_dma source(%arg2 : memref<1280xf32, #tpu.memory_space<hbm>>) target(%arg5 : memref<1280xf32, #tpu.memory_space<vmem>>) target_semaphore(%arg8 : memref<!tpu.dma_semaphore, #tpu.memory_space<semaphore_mem>>)
    %mul3A_1 = arith.constant 4 : i32
    %mul3A_2 = arith.muli %add3A, %mul3A_1 : i32
    %dma_start3A = arith.constant 0 : i32
    %dma_start3A_3 = arith.constant 0 : i32
    %dma_start3A_4 = tpu.memref_slice %arg3[%mul3A_2, %dma_start3A, %dma_start3A_3] : memref<128x2x128xi32, #tpu.memory_space<hbm>> -> memref<4x2x128xi32, #tpu.memory_space<hbm>>
    %dma_start3A_5 = arith.constant 0 : i32
    %dma_start3A_6 = arith.constant 0 : i32
    %dma_start3A_7 = tpu.memref_slice %arg3[%mul3A_2, %dma_start3A_5, %dma_start3A_6] : memref<128x2x128xi32, #tpu.memory_space<hbm>> -> memref<4x2x128xi32, #tpu.memory_space<hbm>>
    tpu.enqueue_dma source(%dma_start3A_7 : memref<4x2x128xi32, #tpu.memory_space<hbm>>) target(%arg6 : memref<4x2x128xi32, #tpu.memory_space<vmem>>) target_semaphore(%arg9 : memref<!tpu.dma_semaphore, #tpu.memory_space<semaphore_mem>>)
    %dma_wait3A = arith.constant 0 : i32
    %dma_wait3A_8 = arith.constant 0 : i32
    %dma_wait3A_9 = tpu.memref_slice %arg3[%mul3A_2, %dma_wait3A, %dma_wait3A_8] : memref<128x2x128xi32, #tpu.memory_space<hbm>> -> memref<4x2x128xi32, #tpu.memory_space<hbm>>
    %dma_wait3A_10 = arith.constant 0 : i32
    %dma_wait3A_11 = arith.constant 0 : i32
    %dma_wait3A_12 = tpu.memref_slice %arg3[%mul3A_2, %dma_wait3A_10, %dma_wait3A_11] : memref<128x2x128xi32, #tpu.memory_space<hbm>> -> memref<4x2x128xi32, #tpu.memory_space<hbm>>
    tpu.wait_dma2 semaphore(%arg9 : memref<!tpu.dma_semaphore, #tpu.memory_space<semaphore_mem>>) src(%dma_wait3A_12 : memref<4x2x128xi32, #tpu.memory_space<hbm>>) dst(%arg6 : memref<4x2x128xi32, #tpu.memory_space<vmem>>)
    tpu.wait_dma2 semaphore(%arg8 : memref<!tpu.dma_semaphore, #tpu.memory_space<semaphore_mem>>) src(%arg2 : memref<1280xf32, #tpu.memory_space<hbm>>) dst(%arg5 : memref<1280xf32, #tpu.memory_space<vmem>>)
    %parallel_loop3A = arith.constant 0 : i32
    %parallel_loop3A_13 = arith.constant 32 : i32
    %parallel_loop3A_14 = arith.constant 1 : i32
    scf.for %parallel_loop3A_17 = %parallel_loop3A to %parallel_loop3A_13 step %parallel_loop3A_14  : i32 {
      %parallel_loop3A_18 = arith.constant 8 : i32
      %parallel_loop3A_19 = arith.divsi %parallel_loop3A_17, %parallel_loop3A_18 : i32
      %parallel_loop3A_20 = arith.constant 0 : i32
      %parallel_loop3A_21 = arith.cmpi sgt, %parallel_loop3A_17, %parallel_loop3A_20 : i32
      %parallel_loop3A_22 = arith.extui %parallel_loop3A_21 : i1 to i32
      %parallel_loop3A_23 = arith.constant 0 : i32
      %parallel_loop3A_24 = arith.cmpi slt, %parallel_loop3A_17, %parallel_loop3A_23 : i32
      %parallel_loop3A_25 = arith.extui %parallel_loop3A_24 : i1 to i32
      %parallel_loop3A_26 = arith.subi %parallel_loop3A_22, %parallel_loop3A_25 : i32
      %parallel_loop3A_27 = arith.constant 0 : i32
      %parallel_loop3A_28 = arith.cmpi sgt, %parallel_loop3A_18, %parallel_loop3A_27 : i32
      %parallel_loop3A_29 = arith.extui %parallel_loop3A_28 : i1 to i32
      %parallel_loop3A_30 = arith.constant 0 : i32
      %parallel_loop3A_31 = arith.cmpi slt, %parallel_loop3A_18, %parallel_loop3A_30 : i32
      %parallel_loop3A_32 = arith.extui %parallel_loop3A_31 : i1 to i32
      %parallel_loop3A_33 = arith.subi %parallel_loop3A_29, %parallel_loop3A_32 : i32
      %parallel_loop3A_34 = arith.cmpi ne, %parallel_loop3A_26, %parallel_loop3A_33 : i32
      %parallel_loop3A_35 = arith.remsi %parallel_loop3A_17, %parallel_loop3A_18 : i32
      %parallel_loop3A_36 = arith.constant 0 : i32
      %parallel_loop3A_37 = arith.cmpi ne, %parallel_loop3A_35, %parallel_loop3A_36 : i32
      %parallel_loop3A_38 = arith.andi %parallel_loop3A_34, %parallel_loop3A_37 : i1
      %parallel_loop3A_39 = arith.constant 1 : i32
      %parallel_loop3A_40 = arith.subi %parallel_loop3A_19, %parallel_loop3A_39 : i32
      %parallel_loop3A_41 = arith.select %parallel_loop3A_38, %parallel_loop3A_40, %parallel_loop3A_19 : i32
      %parallel_loop3A_42 = arith.constant 8 : i32
      %parallel_loop3A_43 = arith.constant 0 : i32
      %parallel_loop3A_44 = arith.cmpi eq, %parallel_loop3A_42, %parallel_loop3A_43 : i32
      %parallel_loop3A_45 = arith.constant 1 : i32
      %parallel_loop3A_46 = arith.select %parallel_loop3A_44, %parallel_loop3A_45, %parallel_loop3A_42 : i32
      %parallel_loop3A_47 = arith.remsi %parallel_loop3A_17, %parallel_loop3A_46 : i32
      %parallel_loop3A_48 = arith.constant 0 : i32
      %parallel_loop3A_49 = arith.cmpi ne, %parallel_loop3A_47, %parallel_loop3A_48 : i32
      %parallel_loop3A_50 = arith.constant 0 : i32
      %parallel_loop3A_51 = arith.cmpi slt, %parallel_loop3A_47, %parallel_loop3A_50 : i32
      %parallel_loop3A_52 = arith.constant 0 : i32
      %parallel_loop3A_53 = arith.cmpi slt, %parallel_loop3A_46, %parallel_loop3A_52 : i32
      %parallel_loop3A_54 = arith.xori %parallel_loop3A_51, %parallel_loop3A_53 : i1
      %parallel_loop3A_55 = arith.andi %parallel_loop3A_54, %parallel_loop3A_49 : i1
      %parallel_loop3A_56 = arith.addi %parallel_loop3A_47, %parallel_loop3A_46 : i32
      %parallel_loop3A_57 = arith.select %parallel_loop3A_55, %parallel_loop3A_56, %parallel_loop3A_47 : i32
      %parallel_loop3A_58 = arith.constant 16 : i32
      %parallel_loop3A_59 = arith.muli %parallel_loop3A_57, %parallel_loop3A_58 : i32
      %parallel_loop3A_60 = arith.constant 0 : i32
      %parallel_loop3A_61 = arith.index_cast %parallel_loop3A_41 : i32 to index
      %parallel_loop3A_62 = arith.index_cast %parallel_loop3A_60 : i32 to index
      %parallel_loop3A_63 = arith.index_cast %parallel_loop3A_59 : i32 to index
      %parallel_loop3A_64 = tpu.vector_load %arg6[%parallel_loop3A_61, %parallel_loop3A_62, %parallel_loop3A_63] {strides = array<i32>} : memref<4x2x128xi32, #tpu.memory_space<vmem>>, vector<16xi32>,
      %parallel_loop3A_65 = arith.constant 0 : i32
      %parallel_loop3A_66 = vector.broadcast %parallel_loop3A_65 : i32 to vector<16xi32>
      %parallel_loop3A_67 = arith.addi %parallel_loop3A_64, %parallel_loop3A_66 : vector<16xi32>
      %parallel_loop3A_68 = tpu.vector_load_idx %arg5[%parallel_loop3A_67] : memref<1280xf32, #tpu.memory_space<vmem>>[vector<16xi32>], vector<16xf32>,
      %parallel_loop3A_69 = arith.constant 0 : i32
      %parallel_loop3A_70 = arith.constant 0 : i32
      %parallel_loop3A_71 = arith.index_cast %parallel_loop3A_69 : i32 to index
      %parallel_loop3A_72 = arith.index_cast %parallel_loop3A_41 : i32 to index
      %parallel_loop3A_73 = arith.index_cast %parallel_loop3A_70 : i32 to index
      %parallel_loop3A_74 = arith.index_cast %parallel_loop3A_59 : i32 to index
      %parallel_loop3A_75 = tpu.vector_load %arg7[%parallel_loop3A_71, %parallel_loop3A_72, %parallel_loop3A_73, %parallel_loop3A_74] {strides = array<i32>} : memref<20x4x2x128xf32, #tpu.memory_space<vmem>>, vector<16xf32>,
      tpu.vector_store %arg7[%parallel_loop3A_71, %parallel_loop3A_72, %parallel_loop3A_73, %parallel_loop3A_74], %parallel_loop3A_68 {strides = array<i32>} : memref<20x4x2x128xf32, #tpu.memory_space<vmem>>, vector<16xf32>,
      %parallel_loop3A_76 = arith.constant 32 : i32
      %parallel_loop3A_77 = vector.broadcast %parallel_loop3A_76 : i32 to vector<16xi32>
      %parallel_loop3A_78 = arith.addi %parallel_loop3A_64, %parallel_loop3A_77 : vector<16xi32>
      %parallel_loop3A_79 = tpu.vector_load_idx %arg5[%parallel_loop3A_78] : memref<1280xf32, #tpu.memory_space<vmem>>[vector<16xi32>], vector<16xf32>,
      %parallel_loop3A_80 = arith.constant 1 : i32
      %parallel_loop3A_81 = arith.constant 0 : i32
      %parallel_loop3A_82 = arith.index_cast %parallel_loop3A_80 : i32 to index
      %parallel_loop3A_83 = arith.index_cast %parallel_loop3A_41 : i32 to index
      %parallel_loop3A_84 = arith.index_cast %parallel_loop3A_81 : i32 to index
      %parallel_loop3A_85 = arith.index_cast %parallel_loop3A_59 : i32 to index
      %parallel_loop3A_86 = tpu.vector_load %arg7[%parallel_loop3A_82, %parallel_loop3A_83, %parallel_loop3A_84, %parallel_loop3A_85] {strides = array<i32>} : memref<20x4x2x128xf32, #tpu.memory_space<vmem>>, vector<16xf32>,
      tpu.vector_store %arg7[%parallel_loop3A_82, %parallel_loop3A_83, %parallel_loop3A_84, %parallel_loop3A_85], %parallel_loop3A_79 {strides = array<i32>} : memref<20x4x2x128xf32, #tpu.memory_space<vmem>>, vector<16xf32>,
      %parallel_loop3A_87 = arith.constant 64 : i32
      %parallel_loop3A_88 = vector.broadcast %parallel_loop3A_87 : i32 to vector<16xi32>
      %parallel_loop3A_89 = arith.addi %parallel_loop3A_64, %parallel_loop3A_88 : vector<16xi32>
      %parallel_loop3A_90 = tpu.vector_load_idx %arg5[%parallel_loop3A_89] : memref<1280xf32, #tpu.memory_space<vmem>>[vector<16xi32>], vector<16xf32>,
      %parallel_loop3A_91 = arith.constant 2 : i32
      %parallel_loop3A_92 = arith.constant 0 : i32
      %parallel_loop3A_93 = arith.index_cast %parallel_loop3A_91 : i32 to index
      %parallel_loop3A_94 = arith.index_cast %parallel_loop3A_41 : i32 to index
      %parallel_loop3A_95 = arith.index_cast %parallel_loop3A_92 : i32 to index
      %parallel_loop3A_96 = arith.index_cast %parallel_loop3A_59 : i32 to index
      %parallel_loop3A_97 = tpu.vector_load %arg7[%parallel_loop3A_93, %parallel_loop3A_94, %parallel_loop3A_95, %parallel_loop3A_96] {strides = array<i32>} : memref<20x4x2x128xf32, #tpu.memory_space<vmem>>, vector<16xf32>,
      tpu.vector_store %arg7[%parallel_loop3A_93, %parallel_loop3A_94, %parallel_loop3A_95, %parallel_loop3A_96], %parallel_loop3A_90 {strides = array<i32>} : memref<20x4x2x128xf32, #tpu.memory_space<vmem>>, vector<16xf32>,
      %parallel_loop3A_98 = arith.constant 96 : i32
      %parallel_loop3A_99 = vector.broadcast %parallel_loop3A_98 : i32 to vector<16xi32>
      %parallel_loop3A_100 = arith.addi %parallel_loop3A_64, %parallel_loop3A_99 : vector<16xi32>
      %parallel_loop3A_101 = tpu.vector_load_idx %arg5[%parallel_loop3A_100] : memref<1280xf32, #tpu.memory_space<vmem>>[vector<16xi32>], vector<16xf32>,
      %parallel_loop3A_102 = arith.constant 3 : i32
      %parallel_loop3A_103 = arith.constant 0 : i32
      %parallel_loop3A_104 = arith.index_cast %parallel_loop3A_102 : i32 to index
      %parallel_loop3A_105 = arith.index_cast %parallel_loop3A_41 : i32 to index
      %parallel_loop3A_106 = arith.index_cast %parallel_loop3A_103 : i32 to index
      %parallel_loop3A_107 = arith.index_cast %parallel_loop3A_59 : i32 to index
      %parallel_loop3A_108 = tpu.vector_load %arg7[%parallel_loop3A_104, %parallel_loop3A_105, %parallel_loop3A_106, %parallel_loop3A_107] {strides = array<i32>} : memref<20x4x2x128xf32, #tpu.memory_space<vmem>>, vector<16xf32>,
      tpu.vector_store %arg7[%parallel_loop3A_104, %parallel_loop3A_105, %parallel_loop3A_106, %parallel_loop3A_107], %parallel_loop3A_101 {strides = array<i32>} : memref<20x4x2x128xf32, #tpu.memory_space<vmem>>, vector<16xf32>,
      %parallel_loop3A_109 = arith.constant 128 : i32
      %parallel_loop3A_110 = vector.broadcast %parallel_loop3A_109 : i32 to vector<16xi32>
      %parallel_loop3A_111 = arith.addi %parallel_loop3A_64, %parallel_loop3A_110 : vector<16xi32>
      %parallel_loop3A_112 = tpu.vector_load_idx %arg5[%parallel_loop3A_111] : memref<1280xf32, #tpu.memory_space<vmem>>[vector<16xi32>], vector<16xf32>,
      %parallel_loop3A_113 = arith.constant 4 : i32
      %parallel_loop3A_114 = arith.constant 0 : i32
      %parallel_loop3A_115 = arith.index_cast %parallel_loop3A_113 : i32 to index
      %parallel_loop3A_116 = arith.index_cast %parallel_loop3A_41 : i32 to index
      %parallel_loop3A_117 = arith.index_cast %parallel_loop3A_114 : i32 to index
      %parallel_loop3A_118 = arith.index_cast %parallel_loop3A_59 : i32 to index
      %parallel_loop3A_119 = tpu.vector_load %arg7[%parallel_loop3A_115, %parallel_loop3A_116, %parallel_loop3A_117, %parallel_loop3A_118] {strides = array<i32>} : memref<20x4x2x128xf32, #tpu.memory_space<vmem>>, vector<16xf32>,
      tpu.vector_store %arg7[%parallel_loop3A_115, %parallel_loop3A_116, %parallel_loop3A_117, %parallel_loop3A_118], %parallel_loop3A_112 {strides = array<i32>} : memref<20x4x2x128xf32, #tpu.memory_space<vmem>>, vector<16xf32>,
      %parallel_loop3A_120 = arith.constant 160 : i32
      %parallel_loop3A_121 = vector.broadcast %parallel_loop3A_120 : i32 to vector<16xi32>
      %parallel_loop3A_122 = arith.addi %parallel_loop3A_64, %parallel_loop3A_121 : vector<16xi32>
      %parallel_loop3A_123 = tpu.vector_load_idx %arg5[%parallel_loop3A_122] : memref<1280xf32, #tpu.memory_space<vmem>>[vector<16xi32>], vector<16xf32>,
      %parallel_loop3A_124 = arith.constant 5 : i32
      %parallel_loop3A_125 = arith.constant 0 : i32
      %parallel_loop3A_126 = arith.index_cast %parallel_loop3A_124 : i32 to index
      %parallel_loop3A_127 = arith.index_cast %parallel_loop3A_41 : i32 to index
      %parallel_loop3A_128 = arith.index_cast %parallel_loop3A_125 : i32 to index
      %parallel_loop3A_129 = arith.index_cast %parallel_loop3A_59 : i32 to index
      %parallel_loop3A_130 = tpu.vector_load %arg7[%parallel_loop3A_126, %parallel_loop3A_127, %parallel_loop3A_128, %parallel_loop3A_129] {strides = array<i32>} : memref<20x4x2x128xf32, #tpu.memory_space<vmem>>, vector<16xf32>,
      tpu.vector_store %arg7[%parallel_loop3A_126, %parallel_loop3A_127, %parallel_loop3A_128, %parallel_loop3A_129], %parallel_loop3A_123 {strides = array<i32>} : memref<20x4x2x128xf32, #tpu.memory_space<vmem>>, vector<16xf32>,
      %parallel_loop3A_131 = arith.constant 192 : i32
      %parallel_loop3A_132 = vector.broadcast %parallel_loop3A_131 : i32 to vector<16xi32>
      %parallel_loop3A_133 = arith.addi %parallel_loop3A_64, %parallel_loop3A_132 : vector<16xi32>
      %parallel_loop3A_134 = tpu.vector_load_idx %arg5[%parallel_loop3A_133] : memref<1280xf32, #tpu.memory_space<vmem>>[vector<16xi32>], vector<16xf32>,
      %parallel_loop3A_135 = arith.constant 6 : i32
      %parallel_loop3A_136 = arith.constant 0 : i32
      %parallel_loop3A_137 = arith.index_cast %parallel_loop3A_135 : i32 to index
      %parallel_loop3A_138 = arith.index_cast %parallel_loop3A_41 : i32 to index
      %parallel_loop3A_139 = arith.index_cast %parallel_loop3A_136 : i32 to index
      %parallel_loop3A_140 = arith.index_cast %parallel_loop3A_59 : i32 to index
      %parallel_loop3A_141 = tpu.vector_load %arg7[%parallel_loop3A_137, %parallel_loop3A_138, %parallel_loop3A_139, %parallel_loop3A_140] {strides = array<i32>} : memref<20x4x2x128xf32, #tpu.memory_space<vmem>>, vector<16xf32>,
      tpu.vector_store %arg7[%parallel_loop3A_137, %parallel_loop3A_138, %parallel_loop3A_139, %parallel_loop3A_140], %parallel_loop3A_134 {strides = array<i32>} : memref<20x4x2x128xf32, #tpu.memory_space<vmem>>, vector<16xf32>,
      %parallel_loop3A_142 = arith.constant 224 : i32
      %parallel_loop3A_143 = vector.broadcast %parallel_loop3A_142 : i32 to vector<16xi32>
      %parallel_loop3A_144 = arith.addi %parallel_loop3A_64, %parallel_loop3A_143 : vector<16xi32>
      %parallel_loop3A_145 = tpu.vector_load_idx %arg5[%parallel_loop3A_144] : memref<1280xf32, #tpu.memory_space<vmem>>[vector<16xi32>], vector<16xf32>,
      %parallel_loop3A_146 = arith.constant 7 : i32
      %parallel_loop3A_147 = arith.constant 0 : i32
      %parallel_loop3A_148 = arith.index_cast %parallel_loop3A_146 : i32 to index
      %parallel_loop3A_149 = arith.index_cast %parallel_loop3A_41 : i32 to index
      %parallel_loop3A_150 = arith.index_cast %parallel_loop3A_147 : i32 to index
      %parallel_loop3A_151 = arith.index_cast %parallel_loop3A_59 : i32 to index
      %parallel_loop3A_152 = tpu.vector_load %arg7[%parallel_loop3A_148, %parallel_loop3A_149, %parallel_loop3A_150, %parallel_loop3A_151] {strides = array<i32>} : memref<20x4x2x128xf32, #tpu.memory_space<vmem>>, vector<16xf32>,
      tpu.vector_store %arg7[%parallel_loop3A_148, %parallel_loop3A_149, %parallel_loop3A_150, %parallel_loop3A_151], %parallel_loop3A_145 {strides = array<i32>} : memref<20x4x2x128xf32, #tpu.memory_space<vmem>>, vector<16xf32>,
      %parallel_loop3A_153 = arith.constant 256 : i32
      %parallel_loop3A_154 = vector.broadcast %parallel_loop3A_153 : i32 to vector<16xi32>
      %parallel_loop3A_155 = arith.addi %parallel_loop3A_64, %parallel_loop3A_154 : vector<16xi32>
      %parallel_loop3A_156 = tpu.vector_load_idx %arg5[%parallel_loop3A_155] : memref<1280xf32, #tpu.memory_space<vmem>>[vector<16xi32>], vector<16xf32>,
      %parallel_loop3A_157 = arith.constant 8 : i32
      %parallel_loop3A_158 = arith.constant 0 : i32
      %parallel_loop3A_159 = arith.index_cast %parallel_loop3A_157 : i32 to index
      %parallel_loop3A_160 = arith.index_cast %parallel_loop3A_41 : i32 to index
      %parallel_loop3A_161 = arith.index_cast %parallel_loop3A_158 : i32 to index
      %parallel_loop3A_162 = arith.index_cast %parallel_loop3A_59 : i32 to index
      %parallel_loop3A_163 = tpu.vector_load %arg7[%parallel_loop3A_159, %parallel_loop3A_160, %parallel_loop3A_161, %parallel_loop3A_162] {strides = array<i32>} : memref<20x4x2x128xf32, #tpu.memory_space<vmem>>, vector<16xf32>,
      tpu.vector_store %arg7[%parallel_loop3A_159, %parallel_loop3A_160, %parallel_loop3A_161, %parallel_loop3A_162], %parallel_loop3A_156 {strides = array<i32>} : memref<20x4x2x128xf32, #tpu.memory_space<vmem>>, vector<16xf32>,
      %parallel_loop3A_164 = arith.constant 288 : i32
      %parallel_loop3A_165 = vector.broadcast %parallel_loop3A_164 : i32 to vector<16xi32>
      %parallel_loop3A_166 = arith.addi %parallel_loop3A_64, %parallel_loop3A_165 : vector<16xi32>
      %parallel_loop3A_167 = tpu.vector_load_idx %arg5[%parallel_loop3A_166] : memref<1280xf32, #tpu.memory_space<vmem>>[vector<16xi32>], vector<16xf32>,
      %parallel_loop3A_168 = arith.constant 9 : i32
      %parallel_loop3A_169 = arith.constant 0 : i32
      %parallel_loop3A_170 = arith.index_cast %parallel_loop3A_168 : i32 to index
      %parallel_loop3A_171 = arith.index_cast %parallel_loop3A_41 : i32 to index
      %parallel_loop3A_172 = arith.index_cast %parallel_loop3A_169 : i32 to index
      %parallel_loop3A_173 = arith.index_cast %parallel_loop3A_59 : i32 to index
      %parallel_loop3A_174 = tpu.vector_load %arg7[%parallel_loop3A_170, %parallel_loop3A_171, %parallel_loop3A_172, %parallel_loop3A_173] {strides = array<i32>} : memref<20x4x2x128xf32, #tpu.memory_space<vmem>>, vector<16xf32>,
      tpu.vector_store %arg7[%parallel_loop3A_170, %parallel_loop3A_171, %parallel_loop3A_172, %parallel_loop3A_173], %parallel_loop3A_167 {strides = array<i32>} : memref<20x4x2x128xf32, #tpu.memory_space<vmem>>, vector<16xf32>,
      %parallel_loop3A_175 = arith.constant 320 : i32
      %parallel_loop3A_176 = vector.broadcast %parallel_loop3A_175 : i32 to vector<16xi32>
      %parallel_loop3A_177 = arith.addi %parallel_loop3A_64, %parallel_loop3A_176 : vector<16xi32>
      %parallel_loop3A_178 = tpu.vector_load_idx %arg5[%parallel_loop3A_177] : memref<1280xf32, #tpu.memory_space<vmem>>[vector<16xi32>], vector<16xf32>,
      %parallel_loop3A_179 = arith.constant 10 : i32
      %parallel_loop3A_180 = arith.constant 0 : i32
      %parallel_loop3A_181 = arith.index_cast %parallel_loop3A_179 : i32 to index
      %parallel_loop3A_182 = arith.index_cast %parallel_loop3A_41 : i32 to index
      %parallel_loop3A_183 = arith.index_cast %parallel_loop3A_180 : i32 to index
      %parallel_loop3A_184 = arith.index_cast %parallel_loop3A_59 : i32 to index
      %parallel_loop3A_185 = tpu.vector_load %arg7[%parallel_loop3A_181, %parallel_loop3A_182, %parallel_loop3A_183, %parallel_loop3A_184] {strides = array<i32>} : memref<20x4x2x128xf32, #tpu.memory_space<vmem>>, vector<16xf32>,
      tpu.vector_store %arg7[%parallel_loop3A_181, %parallel_loop3A_182, %parallel_loop3A_183, %parallel_loop3A_184], %parallel_loop3A_178 {strides = array<i32>} : memref<20x4x2x128xf32, #tpu.memory_space<vmem>>, vector<16xf32>,
      %parallel_loop3A_186 = arith.constant 352 : i32
      %parallel_loop3A_187 = vector.broadcast %parallel_loop3A_186 : i32 to vector<16xi32>
      %parallel_loop3A_188 = arith.addi %parallel_loop3A_64, %parallel_loop3A_187 : vector<16xi32>
      %parallel_loop3A_189 = tpu.vector_load_idx %arg5[%parallel_loop3A_188] : memref<1280xf32, #tpu.memory_space<vmem>>[vector<16xi32>], vector<16xf32>,
      %parallel_loop3A_190 = arith.constant 11 : i32
      %parallel_loop3A_191 = arith.constant 0 : i32
      %parallel_loop3A_192 = arith.index_cast %parallel_loop3A_190 : i32 to index
      %parallel_loop3A_193 = arith.index_cast %parallel_loop3A_41 : i32 to index
      %parallel_loop3A_194 = arith.index_cast %parallel_loop3A_191 : i32 to index
      %parallel_loop3A_195 = arith.index_cast %parallel_loop3A_59 : i32 to index
      %parallel_loop3A_196 = tpu.vector_load %arg7[%parallel_loop3A_192, %parallel_loop3A_193, %parallel_loop3A_194, %parallel_loop3A_195] {strides = array<i32>} : memref<20x4x2x128xf32, #tpu.memory_space<vmem>>, vector<16xf32>,
      tpu.vector_store %arg7[%parallel_loop3A_192, %parallel_loop3A_193, %parallel_loop3A_194, %parallel_loop3A_195], %parallel_loop3A_189 {strides = array<i32>} : memref<20x4x2x128xf32, #tpu.memory_space<vmem>>, vector<16xf32>,
      %parallel_loop3A_197 = arith.constant 384 : i32
      %parallel_loop3A_198 = vector.broadcast %parallel_loop3A_197 : i32 to vector<16xi32>
      %parallel_loop3A_199 = arith.addi %parallel_loop3A_64, %parallel_loop3A_198 : vector<16xi32>
      %parallel_loop3A_200 = tpu.vector_load_idx %arg5[%parallel_loop3A_199] : memref<1280xf32, #tpu.memory_space<vmem>>[vector<16xi32>], vector<16xf32>,
      %parallel_loop3A_201 = arith.constant 12 : i32
      %parallel_loop3A_202 = arith.constant 0 : i32
      %parallel_loop3A_203 = arith.index_cast %parallel_loop3A_201 : i32 to index
      %parallel_loop3A_204 = arith.index_cast %parallel_loop3A_41 : i32 to index
      %parallel_loop3A_205 = arith.index_cast %parallel_loop3A_202 : i32 to index
      %parallel_loop3A_206 = arith.index_cast %parallel_loop3A_59 : i32 to index
      %parallel_loop3A_207 = tpu.vector_load %arg7[%parallel_loop3A_203, %parallel_loop3A_204, %parallel_loop3A_205, %parallel_loop3A_206] {strides = array<i32>} : memref<20x4x2x128xf32, #tpu.memory_space<vmem>>, vector<16xf32>,
      tpu.vector_store %arg7[%parallel_loop3A_203, %parallel_loop3A_204, %parallel_loop3A_205, %parallel_loop3A_206], %parallel_loop3A_200 {strides = array<i32>} : memref<20x4x2x128xf32, #tpu.memory_space<vmem>>, vector<16xf32>,
      %parallel_loop3A_208 = arith.constant 416 : i32
      %parallel_loop3A_209 = vector.broadcast %parallel_loop3A_208 : i32 to vector<16xi32>
      %parallel_loop3A_210 = arith.addi %parallel_loop3A_64, %parallel_loop3A_209 : vector<16xi32>
      %parallel_loop3A_211 = tpu.vector_load_idx %arg5[%parallel_loop3A_210] : memref<1280xf32, #tpu.memory_space<vmem>>[vector<16xi32>], vector<16xf32>,
      %parallel_loop3A_212 = arith.constant 13 : i32
      %parallel_loop3A_213 = arith.constant 0 : i32
      %parallel_loop3A_214 = arith.index_cast %parallel_loop3A_212 : i32 to index
      %parallel_loop3A_215 = arith.index_cast %parallel_loop3A_41 : i32 to index
      %parallel_loop3A_216 = arith.index_cast %parallel_loop3A_213 : i32 to index
      %parallel_loop3A_217 = arith.index_cast %parallel_loop3A_59 : i32 to index
      %parallel_loop3A_218 = tpu.vector_load %arg7[%parallel_loop3A_214, %parallel_loop3A_215, %parallel_loop3A_216, %parallel_loop3A_217] {strides = array<i32>} : memref<20x4x2x128xf32, #tpu.memory_space<vmem>>, vector<16xf32>,
      tpu.vector_store %arg7[%parallel_loop3A_214, %parallel_loop3A_215, %parallel_loop3A_216, %parallel_loop3A_217], %parallel_loop3A_211 {strides = array<i32>} : memref<20x4x2x128xf32, #tpu.memory_space<vmem>>, vector<16xf32>,
      %parallel_loop3A_219 = arith.constant 448 : i32
      %parallel_loop3A_220 = vector.broadcast %parallel_loop3A_219 : i32 to vector<16xi32>
      %parallel_loop3A_221 = arith.addi %parallel_loop3A_64, %parallel_loop3A_220 : vector<16xi32>
      %parallel_loop3A_222 = tpu.vector_load_idx %arg5[%parallel_loop3A_221] : memref<1280xf32, #tpu.memory_space<vmem>>[vector<16xi32>], vector<16xf32>,
      %parallel_loop3A_223 = arith.constant 14 : i32
      %parallel_loop3A_224 = arith.constant 0 : i32
      %parallel_loop3A_225 = arith.index_cast %parallel_loop3A_223 : i32 to index
      %parallel_loop3A_226 = arith.index_cast %parallel_loop3A_41 : i32 to index
      %parallel_loop3A_227 = arith.index_cast %parallel_loop3A_224 : i32 to index
      %parallel_loop3A_228 = arith.index_cast %parallel_loop3A_59 : i32 to index
      %parallel_loop3A_229 = tpu.vector_load %arg7[%parallel_loop3A_225, %parallel_loop3A_226, %parallel_loop3A_227, %parallel_loop3A_228] {strides = array<i32>} : memref<20x4x2x128xf32, #tpu.memory_space<vmem>>, vector<16xf32>,
      tpu.vector_store %arg7[%parallel_loop3A_225, %parallel_loop3A_226, %parallel_loop3A_227, %parallel_loop3A_228], %parallel_loop3A_222 {strides = array<i32>} : memref<20x4x2x128xf32, #tpu.memory_space<vmem>>, vector<16xf32>,
      %parallel_loop3A_230 = arith.constant 480 : i32
      %parallel_loop3A_231 = vector.broadcast %parallel_loop3A_230 : i32 to vector<16xi32>
      %parallel_loop3A_232 = arith.addi %parallel_loop3A_64, %parallel_loop3A_231 : vector<16xi32>
      %parallel_loop3A_233 = tpu.vector_load_idx %arg5[%parallel_loop3A_232] : memref<1280xf32, #tpu.memory_space<vmem>>[vector<16xi32>], vector<16xf32>,
      %parallel_loop3A_234 = arith.constant 15 : i32
      %parallel_loop3A_235 = arith.constant 0 : i32
      %parallel_loop3A_236 = arith.index_cast %parallel_loop3A_234 : i32 to index
      %parallel_loop3A_237 = arith.index_cast %parallel_loop3A_41 : i32 to index
      %parallel_loop3A_238 = arith.index_cast %parallel_loop3A_235 : i32 to index
      %parallel_loop3A_239 = arith.index_cast %parallel_loop3A_59 : i32 to index
      %parallel_loop3A_240 = tpu.vector_load %arg7[%parallel_loop3A_236, %parallel_loop3A_237, %parallel_loop3A_238, %parallel_loop3A_239] {strides = array<i32>} : memref<20x4x2x128xf32, #tpu.memory_space<vmem>>, vector<16xf32>,
      tpu.vector_store %arg7[%parallel_loop3A_236, %parallel_loop3A_237, %parallel_loop3A_238, %parallel_loop3A_239], %parallel_loop3A_233 {strides = array<i32>} : memref<20x4x2x128xf32, #tpu.memory_space<vmem>>, vector<16xf32>,
      %parallel_loop3A_241 = arith.constant 512 : i32
      %parallel_loop3A_242 = vector.broadcast %parallel_loop3A_241 : i32 to vector<16xi32>
      %parallel_loop3A_243 = arith.addi %parallel_loop3A_64, %parallel_loop3A_242 : vector<16xi32>
      %parallel_loop3A_244 = tpu.vector_load_idx %arg5[%parallel_loop3A_243] : memref<1280xf32, #tpu.memory_space<vmem>>[vector<16xi32>], vector<16xf32>,
      %parallel_loop3A_245 = arith.constant 16 : i32
      %parallel_loop3A_246 = arith.constant 0 : i32
      %parallel_loop3A_247 = arith.index_cast %parallel_loop3A_245 : i32 to index
      %parallel_loop3A_248 = arith.index_cast %parallel_loop3A_41 : i32 to index
      %parallel_loop3A_249 = arith.index_cast %parallel_loop3A_246 : i32 to index
      %parallel_loop3A_250 = arith.index_cast %parallel_loop3A_59 : i32 to index
      %parallel_loop3A_251 = tpu.vector_load %arg7[%parallel_loop3A_247, %parallel_loop3A_248, %parallel_loop3A_249, %parallel_loop3A_250] {strides = array<i32>} : memref<20x4x2x128xf32, #tpu.memory_space<vmem>>, vector<16xf32>,
      tpu.vector_store %arg7[%parallel_loop3A_247, %parallel_loop3A_248, %parallel_loop3A_249, %parallel_loop3A_250], %parallel_loop3A_244 {strides = array<i32>} : memref<20x4x2x128xf32, #tpu.memory_space<vmem>>, vector<16xf32>,
      %parallel_loop3A_252 = arith.constant 544 : i32
      %parallel_loop3A_253 = vector.broadcast %parallel_loop3A_252 : i32 to vector<16xi32>
      %parallel_loop3A_254 = arith.addi %parallel_loop3A_64, %parallel_loop3A_253 : vector<16xi32>
      %parallel_loop3A_255 = tpu.vector_load_idx %arg5[%parallel_loop3A_254] : memref<1280xf32, #tpu.memory_space<vmem>>[vector<16xi32>], vector<16xf32>,
      %parallel_loop3A_256 = arith.constant 17 : i32
      %parallel_loop3A_257 = arith.constant 0 : i32
      %parallel_loop3A_258 = arith.index_cast %parallel_loop3A_256 : i32 to index
      %parallel_loop3A_259 = arith.index_cast %parallel_loop3A_41 : i32 to index
      %parallel_loop3A_260 = arith.index_cast %parallel_loop3A_257 : i32 to index
      %parallel_loop3A_261 = arith.index_cast %parallel_loop3A_59 : i32 to index
      %parallel_loop3A_262 = tpu.vector_load %arg7[%parallel_loop3A_258, %parallel_loop3A_259, %parallel_loop3A_260, %parallel_loop3A_261] {strides = array<i32>} : memref<20x4x2x128xf32, #tpu.memory_space<vmem>>, vector<16xf32>,
      tpu.vector_store %arg7[%parallel_loop3A_258, %parallel_loop3A_259, %parallel_loop3A_260, %parallel_loop3A_261], %parallel_loop3A_255 {strides = array<i32>} : memref<20x4x2x128xf32, #tpu.memory_space<vmem>>, vector<16xf32>,
      %parallel_loop3A_263 = arith.constant 576 : i32
      %parallel_loop3A_264 = vector.broadcast %parallel_loop3A_263 : i32 to vector<16xi32>
      %parallel_loop3A_265 = arith.addi %parallel_loop3A_64, %parallel_loop3A_264 : vector<16xi32>
      %parallel_loop3A_266 = tpu.vector_load_idx %arg5[%parallel_loop3A_265] : memref<1280xf32, #tpu.memory_space<vmem>>[vector<16xi32>], vector<16xf32>,
      %parallel_loop3A_267 = arith.constant 18 : i32
      %parallel_loop3A_268 = arith.constant 0 : i32
      %parallel_loop3A_269 = arith.index_cast %parallel_loop3A_267 : i32 to index
      %parallel_loop3A_270 = arith.index_cast %parallel_loop3A_41 : i32 to index
      %parallel_loop3A_271 = arith.index_cast %parallel_loop3A_268 : i32 to index
      %parallel_loop3A_272 = arith.index_cast %parallel_loop3A_59 : i32 to index
      %parallel_loop3A_273 = tpu.vector_load %arg7[%parallel_loop3A_269, %parallel_loop3A_270, %parallel_loop3A_271, %parallel_loop3A_272] {strides = array<i32>} : memref<20x4x2x128xf32, #tpu.memory_space<vmem>>, vector<16xf32>,
      tpu.vector_store %arg7[%parallel_loop3A_269, %parallel_loop3A_270, %parallel_loop3A_271, %parallel_loop3A_272], %parallel_loop3A_266 {strides = array<i32>} : memref<20x4x2x128xf32, #tpu.memory_space<vmem>>, vector<16xf32>,
      %parallel_loop3A_274 = arith.constant 608 : i32
      %parallel_loop3A_275 = vector.broadcast %parallel_loop3A_274 : i32 to vector<16xi32>
      %parallel_loop3A_276 = arith.addi %parallel_loop3A_64, %parallel_loop3A_275 : vector<16xi32>
      %parallel_loop3A_277 = tpu.vector_load_idx %arg5[%parallel_loop3A_276] : memref<1280xf32, #tpu.memory_space<vmem>>[vector<16xi32>], vector<16xf32>,
      %parallel_loop3A_278 = arith.constant 19 : i32
      %parallel_loop3A_279 = arith.constant 0 : i32
      %parallel_loop3A_280 = arith.index_cast %parallel_loop3A_278 : i32 to index
      %parallel_loop3A_281 = arith.index_cast %parallel_loop3A_41 : i32 to index
      %parallel_loop3A_282 = arith.index_cast %parallel_loop3A_279 : i32 to index
      %parallel_loop3A_283 = arith.index_cast %parallel_loop3A_59 : i32 to index
      %parallel_loop3A_284 = tpu.vector_load %arg7[%parallel_loop3A_280, %parallel_loop3A_281, %parallel_loop3A_282, %parallel_loop3A_283] {strides = array<i32>} : memref<20x4x2x128xf32, #tpu.memory_space<vmem>>, vector<16xf32>,
      tpu.vector_store %arg7[%parallel_loop3A_280, %parallel_loop3A_281, %parallel_loop3A_282, %parallel_loop3A_283], %parallel_loop3A_277 {strides = array<i32>} : memref<20x4x2x128xf32, #tpu.memory_space<vmem>>, vector<16xf32>,
      %parallel_loop3A_285 = arith.constant 1 : i32
      %parallel_loop3A_286 = arith.index_cast %parallel_loop3A_41 : i32 to index
      %parallel_loop3A_287 = arith.index_cast %parallel_loop3A_285 : i32 to index
      %parallel_loop3A_288 = arith.index_cast %parallel_loop3A_59 : i32 to index
      %parallel_loop3A_289 = tpu.vector_load %arg6[%parallel_loop3A_286, %parallel_loop3A_287, %parallel_loop3A_288] {strides = array<i32>} : memref<4x2x128xi32, #tpu.memory_space<vmem>>, vector<16xi32>,
      %parallel_loop3A_290 = arith.constant 640 : i32
      %parallel_loop3A_291 = vector.broadcast %parallel_loop3A_290 : i32 to vector<16xi32>
      %parallel_loop3A_292 = arith.addi %parallel_loop3A_289, %parallel_loop3A_291 : vector<16xi32>
      %parallel_loop3A_293 = tpu.vector_load_idx %arg5[%parallel_loop3A_292] : memref<1280xf32, #tpu.memory_space<vmem>>[vector<16xi32>], vector<16xf32>,
      %parallel_loop3A_294 = arith.constant 0 : i32
      %parallel_loop3A_295 = arith.constant 1 : i32
      %parallel_loop3A_296 = arith.index_cast %parallel_loop3A_294 : i32 to index
      %parallel_loop3A_297 = arith.index_cast %parallel_loop3A_41 : i32 to index
      %parallel_loop3A_298 = arith.index_cast %parallel_loop3A_295 : i32 to index
      %parallel_loop3A_299 = arith.index_cast %parallel_loop3A_59 : i32 to index
      %parallel_loop3A_300 = tpu.vector_load %arg7[%parallel_loop3A_296, %parallel_loop3A_297, %parallel_loop3A_298, %parallel_loop3A_299] {strides = array<i32>} : memref<20x4x2x128xf32, #tpu.memory_space<vmem>>, vector<16xf32>,
      tpu.vector_store %arg7[%parallel_loop3A_296, %parallel_loop3A_297, %parallel_loop3A_298, %parallel_loop3A_299], %parallel_loop3A_293 {strides = array<i32>} : memref<20x4x2x128xf32, #tpu.memory_space<vmem>>, vector<16xf32>,
      %parallel_loop3A_301 = arith.constant 672 : i32
      %parallel_loop3A_302 = vector.broadcast %parallel_loop3A_301 : i32 to vector<16xi32>
      %parallel_loop3A_303 = arith.addi %parallel_loop3A_289, %parallel_loop3A_302 : vector<16xi32>
      %parallel_loop3A_304 = tpu.vector_load_idx %arg5[%parallel_loop3A_303] : memref<1280xf32, #tpu.memory_space<vmem>>[vector<16xi32>], vector<16xf32>,
      %parallel_loop3A_305 = arith.constant 1 : i32
      %parallel_loop3A_306 = arith.constant 1 : i32
      %parallel_loop3A_307 = arith.index_cast %parallel_loop3A_305 : i32 to index
      %parallel_loop3A_308 = arith.index_cast %parallel_loop3A_41 : i32 to index
      %parallel_loop3A_309 = arith.index_cast %parallel_loop3A_306 : i32 to index
      %parallel_loop3A_310 = arith.index_cast %parallel_loop3A_59 : i32 to index
      %parallel_loop3A_311 = tpu.vector_load %arg7[%parallel_loop3A_307, %parallel_loop3A_308, %parallel_loop3A_309, %parallel_loop3A_310] {strides = array<i32>} : memref<20x4x2x128xf32, #tpu.memory_space<vmem>>, vector<16xf32>,
      tpu.vector_store %arg7[%parallel_loop3A_307, %parallel_loop3A_308, %parallel_loop3A_309, %parallel_loop3A_310], %parallel_loop3A_304 {strides = array<i32>} : memref<20x4x2x128xf32, #tpu.memory_space<vmem>>, vector<16xf32>,
      %parallel_loop3A_312 = arith.constant 704 : i32
      %parallel_loop3A_313 = vector.broadcast %parallel_loop3A_312 : i32 to vector<16xi32>
      %parallel_loop3A_314 = arith.addi %parallel_loop3A_289, %parallel_loop3A_313 : vector<16xi32>
      %parallel_loop3A_315 = tpu.vector_load_idx %arg5[%parallel_loop3A_314] : memref<1280xf32, #tpu.memory_space<vmem>>[vector<16xi32>], vector<16xf32>,
      %parallel_loop3A_316 = arith.constant 2 : i32
      %parallel_loop3A_317 = arith.constant 1 : i32
      %parallel_loop3A_318 = arith.index_cast %parallel_loop3A_316 : i32 to index
      %parallel_loop3A_319 = arith.index_cast %parallel_loop3A_41 : i32 to index
      %parallel_loop3A_320 = arith.index_cast %parallel_loop3A_317 : i32 to index
      %parallel_loop3A_321 = arith.index_cast %parallel_loop3A_59 : i32 to index
      %parallel_loop3A_322 = tpu.vector_load %arg7[%parallel_loop3A_318, %parallel_loop3A_319, %parallel_loop3A_320, %parallel_loop3A_321] {strides = array<i32>} : memref<20x4x2x128xf32, #tpu.memory_space<vmem>>, vector<16xf32>,
      tpu.vector_store %arg7[%parallel_loop3A_318, %parallel_loop3A_319, %parallel_loop3A_320, %parallel_loop3A_321], %parallel_loop3A_315 {strides = array<i32>} : memref<20x4x2x128xf32, #tpu.memory_space<vmem>>, vector<16xf32>,
      %parallel_loop3A_323 = arith.constant 736 : i32
      %parallel_loop3A_324 = vector.broadcast %parallel_loop3A_323 : i32 to vector<16xi32>
      %parallel_loop3A_325 = arith.addi %parallel_loop3A_289, %parallel_loop3A_324 : vector<16xi32>
      %parallel_loop3A_326 = tpu.vector_load_idx %arg5[%parallel_loop3A_325] : memref<1280xf32, #tpu.memory_space<vmem>>[vector<16xi32>], vector<16xf32>,
      %parallel_loop3A_327 = arith.constant 3 : i32
      %parallel_loop3A_328 = arith.constant 1 : i32
      %parallel_loop3A_329 = arith.index_cast %parallel_loop3A_327 : i32 to index
      %parallel_loop3A_330 = arith.index_cast %parallel_loop3A_41 : i32 to index
      %parallel_loop3A_331 = arith.index_cast %parallel_loop3A_328 : i32 to index
      %parallel_loop3A_332 = arith.index_cast %parallel_loop3A_59 : i32 to index
      %parallel_loop3A_333 = tpu.vector_load %arg7[%parallel_loop3A_329, %parallel_loop3A_330, %parallel_loop3A_331, %parallel_loop3A_332] {strides = array<i32>} : memref<20x4x2x128xf32, #tpu.memory_space<vmem>>, vector<16xf32>,
      tpu.vector_store %arg7[%parallel_loop3A_329, %parallel_loop3A_330, %parallel_loop3A_331, %parallel_loop3A_332], %parallel_loop3A_326 {strides = array<i32>} : memref<20x4x2x128xf32, #tpu.memory_space<vmem>>, vector<16xf32>,
      %parallel_loop3A_334 = arith.constant 768 : i32
      %parallel_loop3A_335 = vector.broadcast %parallel_loop3A_334 : i32 to vector<16xi32>
      %parallel_loop3A_336 = arith.addi %parallel_loop3A_289, %parallel_loop3A_335 : vector<16xi32>
      %parallel_loop3A_337 = tpu.vector_load_idx %arg5[%parallel_loop3A_336] : memref<1280xf32, #tpu.memory_space<vmem>>[vector<16xi32>], vector<16xf32>,
      %parallel_loop3A_338 = arith.constant 4 : i32
      %parallel_loop3A_339 = arith.constant 1 : i32
      %parallel_loop3A_340 = arith.index_cast %parallel_loop3A_338 : i32 to index
      %parallel_loop3A_341 = arith.index_cast %parallel_loop3A_41 : i32 to index
      %parallel_loop3A_342 = arith.index_cast %parallel_loop3A_339 : i32 to index
      %parallel_loop3A_343 = arith.index_cast %parallel_loop3A_59 : i32 to index
      %parallel_loop3A_344 = tpu.vector_load %arg7[%parallel_loop3A_340, %parallel_loop3A_341, %parallel_loop3A_342, %parallel_loop3A_343] {strides = array<i32>} : memref<20x4x2x128xf32, #tpu.memory_space<vmem>>, vector<16xf32>,
      tpu.vector_store %arg7[%parallel_loop3A_340, %parallel_loop3A_341, %parallel_loop3A_342, %parallel_loop3A_343], %parallel_loop3A_337 {strides = array<i32>} : memref<20x4x2x128xf32, #tpu.memory_space<vmem>>, vector<16xf32>,
      %parallel_loop3A_345 = arith.constant 800 : i32
      %parallel_loop3A_346 = vector.broadcast %parallel_loop3A_345 : i32 to vector<16xi32>
      %parallel_loop3A_347 = arith.addi %parallel_loop3A_289, %parallel_loop3A_346 : vector<16xi32>
      %parallel_loop3A_348 = tpu.vector_load_idx %arg5[%parallel_loop3A_347] : memref<1280xf32, #tpu.memory_space<vmem>>[vector<16xi32>], vector<16xf32>,
      %parallel_loop3A_349 = arith.constant 5 : i32
      %parallel_loop3A_350 = arith.constant 1 : i32
      %parallel_loop3A_351 = arith.index_cast %parallel_loop3A_349 : i32 to index
      %parallel_loop3A_352 = arith.index_cast %parallel_loop3A_41 : i32 to index
      %parallel_loop3A_353 = arith.index_cast %parallel_loop3A_350 : i32 to index
      %parallel_loop3A_354 = arith.index_cast %parallel_loop3A_59 : i32 to index
      %parallel_loop3A_355 = tpu.vector_load %arg7[%parallel_loop3A_351, %parallel_loop3A_352, %parallel_loop3A_353, %parallel_loop3A_354] {strides = array<i32>} : memref<20x4x2x128xf32, #tpu.memory_space<vmem>>, vector<16xf32>,
      tpu.vector_store %arg7[%parallel_loop3A_351, %parallel_loop3A_352, %parallel_loop3A_353, %parallel_loop3A_354], %parallel_loop3A_348 {strides = array<i32>} : memref<20x4x2x128xf32, #tpu.memory_space<vmem>>, vector<16xf32>,
      %parallel_loop3A_356 = arith.constant 832 : i32
      %parallel_loop3A_357 = vector.broadcast %parallel_loop3A_356 : i32 to vector<16xi32>
      %parallel_loop3A_358 = arith.addi %parallel_loop3A_289, %parallel_loop3A_357 : vector<16xi32>
      %parallel_loop3A_359 = tpu.vector_load_idx %arg5[%parallel_loop3A_358] : memref<1280xf32, #tpu.memory_space<vmem>>[vector<16xi32>], vector<16xf32>,
      %parallel_loop3A_360 = arith.constant 6 : i32
      %parallel_loop3A_361 = arith.constant 1 : i32
      %parallel_loop3A_362 = arith.index_cast %parallel_loop3A_360 : i32 to index
      %parallel_loop3A_363 = arith.index_cast %parallel_loop3A_41 : i32 to index
      %parallel_loop3A_364 = arith.index_cast %parallel_loop3A_361 : i32 to index
      %parallel_loop3A_365 = arith.index_cast %parallel_loop3A_59 : i32 to index
      %parallel_loop3A_366 = tpu.vector_load %arg7[%parallel_loop3A_362, %parallel_loop3A_363, %parallel_loop3A_364, %parallel_loop3A_365] {strides = array<i32>} : memref<20x4x2x128xf32, #tpu.memory_space<vmem>>, vector<16xf32>,
      tpu.vector_store %arg7[%parallel_loop3A_362, %parallel_loop3A_363, %parallel_loop3A_364, %parallel_loop3A_365], %parallel_loop3A_359 {strides = array<i32>} : memref<20x4x2x128xf32, #tpu.memory_space<vmem>>, vector<16xf32>,
      %parallel_loop3A_367 = arith.constant 864 : i32
      %parallel_loop3A_368 = vector.broadcast %parallel_loop3A_367 : i32 to vector<16xi32>
      %parallel_loop3A_369 = arith.addi %parallel_loop3A_289, %parallel_loop3A_368 : vector<16xi32>
      %parallel_loop3A_370 = tpu.vector_load_idx %arg5[%parallel_loop3A_369] : memref<1280xf32, #tpu.memory_space<vmem>>[vector<16xi32>], vector<16xf32>,
      %parallel_loop3A_371 = arith.constant 7 : i32
      %parallel_loop3A_372 = arith.constant 1 : i32
      %parallel_loop3A_373 = arith.index_cast %parallel_loop3A_371 : i32 to index
      %parallel_loop3A_374 = arith.index_cast %parallel_loop3A_41 : i32 to index
      %parallel_loop3A_375 = arith.index_cast %parallel_loop3A_372 : i32 to index
      %parallel_loop3A_376 = arith.index_cast %parallel_loop3A_59 : i32 to index
      %parallel_loop3A_377 = tpu.vector_load %arg7[%parallel_loop3A_373, %parallel_loop3A_374, %parallel_loop3A_375, %parallel_loop3A_376] {strides = array<i32>} : memref<20x4x2x128xf32, #tpu.memory_space<vmem>>, vector<16xf32>,
      tpu.vector_store %arg7[%parallel_loop3A_373, %parallel_loop3A_374, %parallel_loop3A_375, %parallel_loop3A_376], %parallel_loop3A_370 {strides = array<i32>} : memref<20x4x2x128xf32, #tpu.memory_space<vmem>>, vector<16xf32>,
      %parallel_loop3A_378 = arith.constant 896 : i32
      %parallel_loop3A_379 = vector.broadcast %parallel_loop3A_378 : i32 to vector<16xi32>
      %parallel_loop3A_380 = arith.addi %parallel_loop3A_289, %parallel_loop3A_379 : vector<16xi32>
      %parallel_loop3A_381 = tpu.vector_load_idx %arg5[%parallel_loop3A_380] : memref<1280xf32, #tpu.memory_space<vmem>>[vector<16xi32>], vector<16xf32>,
      %parallel_loop3A_382 = arith.constant 8 : i32
      %parallel_loop3A_383 = arith.constant 1 : i32
      %parallel_loop3A_384 = arith.index_cast %parallel_loop3A_382 : i32 to index
      %parallel_loop3A_385 = arith.index_cast %parallel_loop3A_41 : i32 to index
      %parallel_loop3A_386 = arith.index_cast %parallel_loop3A_383 : i32 to index
      %parallel_loop3A_387 = arith.index_cast %parallel_loop3A_59 : i32 to index
      %parallel_loop3A_388 = tpu.vector_load %arg7[%parallel_loop3A_384, %parallel_loop3A_385, %parallel_loop3A_386, %parallel_loop3A_387] {strides = array<i32>} : memref<20x4x2x128xf32, #tpu.memory_space<vmem>>, vector<16xf32>,
      tpu.vector_store %arg7[%parallel_loop3A_384, %parallel_loop3A_385, %parallel_loop3A_386, %parallel_loop3A_387], %parallel_loop3A_381 {strides = array<i32>} : memref<20x4x2x128xf32, #tpu.memory_space<vmem>>, vector<16xf32>,
      %parallel_loop3A_389 = arith.constant 928 : i32
      %parallel_loop3A_390 = vector.broadcast %parallel_loop3A_389 : i32 to vector<16xi32>
      %parallel_loop3A_391 = arith.addi %parallel_loop3A_289, %parallel_loop3A_390 : vector<16xi32>
      %parallel_loop3A_392 = tpu.vector_load_idx %arg5[%parallel_loop3A_391] : memref<1280xf32, #tpu.memory_space<vmem>>[vector<16xi32>], vector<16xf32>,
      %parallel_loop3A_393 = arith.constant 9 : i32
      %parallel_loop3A_394 = arith.constant 1 : i32
      %parallel_loop3A_395 = arith.index_cast %parallel_loop3A_393 : i32 to index
      %parallel_loop3A_396 = arith.index_cast %parallel_loop3A_41 : i32 to index
      %parallel_loop3A_397 = arith.index_cast %parallel_loop3A_394 : i32 to index
      %parallel_loop3A_398 = arith.index_cast %parallel_loop3A_59 : i32 to index
      %parallel_loop3A_399 = tpu.vector_load %arg7[%parallel_loop3A_395, %parallel_loop3A_396, %parallel_loop3A_397, %parallel_loop3A_398] {strides = array<i32>} : memref<20x4x2x128xf32, #tpu.memory_space<vmem>>, vector<16xf32>,
      tpu.vector_store %arg7[%parallel_loop3A_395, %parallel_loop3A_396, %parallel_loop3A_397, %parallel_loop3A_398], %parallel_loop3A_392 {strides = array<i32>} : memref<20x4x2x128xf32, #tpu.memory_space<vmem>>, vector<16xf32>,
      %parallel_loop3A_400 = arith.constant 960 : i32
      %parallel_loop3A_401 = vector.broadcast %parallel_loop3A_400 : i32 to vector<16xi32>
      %parallel_loop3A_402 = arith.addi %parallel_loop3A_289, %parallel_loop3A_401 : vector<16xi32>
      %parallel_loop3A_403 = tpu.vector_load_idx %arg5[%parallel_loop3A_402] : memref<1280xf32, #tpu.memory_space<vmem>>[vector<16xi32>], vector<16xf32>,
      %parallel_loop3A_404 = arith.constant 10 : i32
      %parallel_loop3A_405 = arith.constant 1 : i32
      %parallel_loop3A_406 = arith.index_cast %parallel_loop3A_404 : i32 to index
      %parallel_loop3A_407 = arith.index_cast %parallel_loop3A_41 : i32 to index
      %parallel_loop3A_408 = arith.index_cast %parallel_loop3A_405 : i32 to index
      %parallel_loop3A_409 = arith.index_cast %parallel_loop3A_59 : i32 to index
      %parallel_loop3A_410 = tpu.vector_load %arg7[%parallel_loop3A_406, %parallel_loop3A_407, %parallel_loop3A_408, %parallel_loop3A_409] {strides = array<i32>} : memref<20x4x2x128xf32, #tpu.memory_space<vmem>>, vector<16xf32>,
      tpu.vector_store %arg7[%parallel_loop3A_406, %parallel_loop3A_407, %parallel_loop3A_408, %parallel_loop3A_409], %parallel_loop3A_403 {strides = array<i32>} : memref<20x4x2x128xf32, #tpu.memory_space<vmem>>, vector<16xf32>,
      %parallel_loop3A_411 = arith.constant 992 : i32
      %parallel_loop3A_412 = vector.broadcast %parallel_loop3A_411 : i32 to vector<16xi32>
      %parallel_loop3A_413 = arith.addi %parallel_loop3A_289, %parallel_loop3A_412 : vector<16xi32>
      %parallel_loop3A_414 = tpu.vector_load_idx %arg5[%parallel_loop3A_413] : memref<1280xf32, #tpu.memory_space<vmem>>[vector<16xi32>], vector<16xf32>,
      %parallel_loop3A_415 = arith.constant 11 : i32
      %parallel_loop3A_416 = arith.constant 1 : i32
      %parallel_loop3A_417 = arith.index_cast %parallel_loop3A_415 : i32 to index
      %parallel_loop3A_418 = arith.index_cast %parallel_loop3A_41 : i32 to index
      %parallel_loop3A_419 = arith.index_cast %parallel_loop3A_416 : i32 to index
      %parallel_loop3A_420 = arith.index_cast %parallel_loop3A_59 : i32 to index
      %parallel_loop3A_421 = tpu.vector_load %arg7[%parallel_loop3A_417, %parallel_loop3A_418, %parallel_loop3A_419, %parallel_loop3A_420] {strides = array<i32>} : memref<20x4x2x128xf32, #tpu.memory_space<vmem>>, vector<16xf32>,
      tpu.vector_store %arg7[%parallel_loop3A_417, %parallel_loop3A_418, %parallel_loop3A_419, %parallel_loop3A_420], %parallel_loop3A_414 {strides = array<i32>} : memref<20x4x2x128xf32, #tpu.memory_space<vmem>>, vector<16xf32>,
      %parallel_loop3A_422 = arith.constant 1024 : i32
      %parallel_loop3A_423 = vector.broadcast %parallel_loop3A_422 : i32 to vector<16xi32>
      %parallel_loop3A_424 = arith.addi %parallel_loop3A_289, %parallel_loop3A_423 : vector<16xi32>
      %parallel_loop3A_425 = tpu.vector_load_idx %arg5[%parallel_loop3A_424] : memref<1280xf32, #tpu.memory_space<vmem>>[vector<16xi32>], vector<16xf32>,
      %parallel_loop3A_426 = arith.constant 12 : i32
      %parallel_loop3A_427 = arith.constant 1 : i32
      %parallel_loop3A_428 = arith.index_cast %parallel_loop3A_426 : i32 to index
      %parallel_loop3A_429 = arith.index_cast %parallel_loop3A_41 : i32 to index
      %parallel_loop3A_430 = arith.index_cast %parallel_loop3A_427 : i32 to index
      %parallel_loop3A_431 = arith.index_cast %parallel_loop3A_59 : i32 to index
      %parallel_loop3A_432 = tpu.vector_load %arg7[%parallel_loop3A_428, %parallel_loop3A_429, %parallel_loop3A_430, %parallel_loop3A_431] {strides = array<i32>} : memref<20x4x2x128xf32, #tpu.memory_space<vmem>>, vector<16xf32>,
      tpu.vector_store %arg7[%parallel_loop3A_428, %parallel_loop3A_429, %parallel_loop3A_430, %parallel_loop3A_431], %parallel_loop3A_425 {strides = array<i32>} : memref<20x4x2x128xf32, #tpu.memory_space<vmem>>, vector<16xf32>,
      %parallel_loop3A_433 = arith.constant 1056 : i32
      %parallel_loop3A_434 = vector.broadcast %parallel_loop3A_433 : i32 to vector<16xi32>
      %parallel_loop3A_435 = arith.addi %parallel_loop3A_289, %parallel_loop3A_434 : vector<16xi32>
      %parallel_loop3A_436 = tpu.vector_load_idx %arg5[%parallel_loop3A_435] : memref<1280xf32, #tpu.memory_space<vmem>>[vector<16xi32>], vector<16xf32>,
      %parallel_loop3A_437 = arith.constant 13 : i32
      %parallel_loop3A_438 = arith.constant 1 : i32
      %parallel_loop3A_439 = arith.index_cast %parallel_loop3A_437 : i32 to index
      %parallel_loop3A_440 = arith.index_cast %parallel_loop3A_41 : i32 to index
      %parallel_loop3A_441 = arith.index_cast %parallel_loop3A_438 : i32 to index
      %parallel_loop3A_442 = arith.index_cast %parallel_loop3A_59 : i32 to index
      %parallel_loop3A_443 = tpu.vector_load %arg7[%parallel_loop3A_439, %parallel_loop3A_440, %parallel_loop3A_441, %parallel_loop3A_442] {strides = array<i32>} : memref<20x4x2x128xf32, #tpu.memory_space<vmem>>, vector<16xf32>,
      tpu.vector_store %arg7[%parallel_loop3A_439, %parallel_loop3A_440, %parallel_loop3A_441, %parallel_loop3A_442], %parallel_loop3A_436 {strides = array<i32>} : memref<20x4x2x128xf32, #tpu.memory_space<vmem>>, vector<16xf32>,
      %parallel_loop3A_444 = arith.constant 1088 : i32
      %parallel_loop3A_445 = vector.broadcast %parallel_loop3A_444 : i32 to vector<16xi32>
      %parallel_loop3A_446 = arith.addi %parallel_loop3A_289, %parallel_loop3A_445 : vector<16xi32>
      %parallel_loop3A_447 = tpu.vector_load_idx %arg5[%parallel_loop3A_446] : memref<1280xf32, #tpu.memory_space<vmem>>[vector<16xi32>], vector<16xf32>,
      %parallel_loop3A_448 = arith.constant 14 : i32
      %parallel_loop3A_449 = arith.constant 1 : i32
      %parallel_loop3A_450 = arith.index_cast %parallel_loop3A_448 : i32 to index
      %parallel_loop3A_451 = arith.index_cast %parallel_loop3A_41 : i32 to index
      %parallel_loop3A_452 = arith.index_cast %parallel_loop3A_449 : i32 to index
      %parallel_loop3A_453 = arith.index_cast %parallel_loop3A_59 : i32 to index
      %parallel_loop3A_454 = tpu.vector_load %arg7[%parallel_loop3A_450, %parallel_loop3A_451, %parallel_loop3A_452, %parallel_loop3A_453] {strides = array<i32>} : memref<20x4x2x128xf32, #tpu.memory_space<vmem>>, vector<16xf32>,
      tpu.vector_store %arg7[%parallel_loop3A_450, %parallel_loop3A_451, %parallel_loop3A_452, %parallel_loop3A_453], %parallel_loop3A_447 {strides = array<i32>} : memref<20x4x2x128xf32, #tpu.memory_space<vmem>>, vector<16xf32>,
      %parallel_loop3A_455 = arith.constant 1120 : i32
      %parallel_loop3A_456 = vector.broadcast %parallel_loop3A_455 : i32 to vector<16xi32>
      %parallel_loop3A_457 = arith.addi %parallel_loop3A_289, %parallel_loop3A_456 : vector<16xi32>
      %parallel_loop3A_458 = tpu.vector_load_idx %arg5[%parallel_loop3A_457] : memref<1280xf32, #tpu.memory_space<vmem>>[vector<16xi32>], vector<16xf32>,
      %parallel_loop3A_459 = arith.constant 15 : i32
      %parallel_loop3A_460 = arith.constant 1 : i32
      %parallel_loop3A_461 = arith.index_cast %parallel_loop3A_459 : i32 to index
      %parallel_loop3A_462 = arith.index_cast %parallel_loop3A_41 : i32 to index
      %parallel_loop3A_463 = arith.index_cast %parallel_loop3A_460 : i32 to index
      %parallel_loop3A_464 = arith.index_cast %parallel_loop3A_59 : i32 to index
      %parallel_loop3A_465 = tpu.vector_load %arg7[%parallel_loop3A_461, %parallel_loop3A_462, %parallel_loop3A_463, %parallel_loop3A_464] {strides = array<i32>} : memref<20x4x2x128xf32, #tpu.memory_space<vmem>>, vector<16xf32>,
      tpu.vector_store %arg7[%parallel_loop3A_461, %parallel_loop3A_462, %parallel_loop3A_463, %parallel_loop3A_464], %parallel_loop3A_458 {strides = array<i32>} : memref<20x4x2x128xf32, #tpu.memory_space<vmem>>, vector<16xf32>,
      %parallel_loop3A_466 = arith.constant 1152 : i32
      %parallel_loop3A_467 = vector.broadcast %parallel_loop3A_466 : i32 to vector<16xi32>
      %parallel_loop3A_468 = arith.addi %parallel_loop3A_289, %parallel_loop3A_467 : vector<16xi32>
      %parallel_loop3A_469 = tpu.vector_load_idx %arg5[%parallel_loop3A_468] : memref<1280xf32, #tpu.memory_space<vmem>>[vector<16xi32>], vector<16xf32>,
      %parallel_loop3A_470 = arith.constant 16 : i32
      %parallel_loop3A_471 = arith.constant 1 : i32
      %parallel_loop3A_472 = arith.index_cast %parallel_loop3A_470 : i32 to index
      %parallel_loop3A_473 = arith.index_cast %parallel_loop3A_41 : i32 to index
      %parallel_loop3A_474 = arith.index_cast %parallel_loop3A_471 : i32 to index
      %parallel_loop3A_475 = arith.index_cast %parallel_loop3A_59 : i32 to index
      %parallel_loop3A_476 = tpu.vector_load %arg7[%parallel_loop3A_472, %parallel_loop3A_473, %parallel_loop3A_474, %parallel_loop3A_475] {strides = array<i32>} : memref<20x4x2x128xf32, #tpu.memory_space<vmem>>, vector<16xf32>,
      tpu.vector_store %arg7[%parallel_loop3A_472, %parallel_loop3A_473, %parallel_loop3A_474, %parallel_loop3A_475], %parallel_loop3A_469 {strides = array<i32>} : memref<20x4x2x128xf32, #tpu.memory_space<vmem>>, vector<16xf32>,
      %parallel_loop3A_477 = arith.constant 1184 : i32
      %parallel_loop3A_478 = vector.broadcast %parallel_loop3A_477 : i32 to vector<16xi32>
      %parallel_loop3A_479 = arith.addi %parallel_loop3A_289, %parallel_loop3A_478 : vector<16xi32>
      %parallel_loop3A_480 = tpu.vector_load_idx %arg5[%parallel_loop3A_479] : memref<1280xf32, #tpu.memory_space<vmem>>[vector<16xi32>], vector<16xf32>,
      %parallel_loop3A_481 = arith.constant 17 : i32
      %parallel_loop3A_482 = arith.constant 1 : i32
      %parallel_loop3A_483 = arith.index_cast %parallel_loop3A_481 : i32 to index
      %parallel_loop3A_484 = arith.index_cast %parallel_loop3A_41 : i32 to index
      %parallel_loop3A_485 = arith.index_cast %parallel_loop3A_482 : i32 to index
      %parallel_loop3A_486 = arith.index_cast %parallel_loop3A_59 : i32 to index
      %parallel_loop3A_487 = tpu.vector_load %arg7[%parallel_loop3A_483, %parallel_loop3A_484, %parallel_loop3A_485, %parallel_loop3A_486] {strides = array<i32>} : memref<20x4x2x128xf32, #tpu.memory_space<vmem>>, vector<16xf32>,
      tpu.vector_store %arg7[%parallel_loop3A_483, %parallel_loop3A_484, %parallel_loop3A_485, %parallel_loop3A_486], %parallel_loop3A_480 {strides = array<i32>} : memref<20x4x2x128xf32, #tpu.memory_space<vmem>>, vector<16xf32>,
      %parallel_loop3A_488 = arith.constant 1216 : i32
      %parallel_loop3A_489 = vector.broadcast %parallel_loop3A_488 : i32 to vector<16xi32>
      %parallel_loop3A_490 = arith.addi %parallel_loop3A_289, %parallel_loop3A_489 : vector<16xi32>
      %parallel_loop3A_491 = tpu.vector_load_idx %arg5[%parallel_loop3A_490] : memref<1280xf32, #tpu.memory_space<vmem>>[vector<16xi32>], vector<16xf32>,
      %parallel_loop3A_492 = arith.constant 18 : i32
      %parallel_loop3A_493 = arith.constant 1 : i32
      %parallel_loop3A_494 = arith.index_cast %parallel_loop3A_492 : i32 to index
      %parallel_loop3A_495 = arith.index_cast %parallel_loop3A_41 : i32 to index
      %parallel_loop3A_496 = arith.index_cast %parallel_loop3A_493 : i32 to index
      %parallel_loop3A_497 = arith.index_cast %parallel_loop3A_59 : i32 to index
      %parallel_loop3A_498 = tpu.vector_load %arg7[%parallel_loop3A_494, %parallel_loop3A_495, %parallel_loop3A_496, %parallel_loop3A_497] {strides = array<i32>} : memref<20x4x2x128xf32, #tpu.memory_space<vmem>>, vector<16xf32>,
      tpu.vector_store %arg7[%parallel_loop3A_494, %parallel_loop3A_495, %parallel_loop3A_496, %parallel_loop3A_497], %parallel_loop3A_491 {strides = array<i32>} : memref<20x4x2x128xf32, #tpu.memory_space<vmem>>, vector<16xf32>,
      %parallel_loop3A_499 = arith.constant 1248 : i32
      %parallel_loop3A_500 = vector.broadcast %parallel_loop3A_499 : i32 to vector<16xi32>
      %parallel_loop3A_501 = arith.addi %parallel_loop3A_289, %parallel_loop3A_500 : vector<16xi32>
      %parallel_loop3A_502 = tpu.vector_load_idx %arg5[%parallel_loop3A_501] : memref<1280xf32, #tpu.memory_space<vmem>>[vector<16xi32>], vector<16xf32>,
      %parallel_loop3A_503 = arith.constant 19 : i32
      %parallel_loop3A_504 = arith.constant 1 : i32
      %parallel_loop3A_505 = arith.index_cast %parallel_loop3A_503 : i32 to index
      %parallel_loop3A_506 = arith.index_cast %parallel_loop3A_41 : i32 to index
      %parallel_loop3A_507 = arith.index_cast %parallel_loop3A_504 : i32 to index
      %parallel_loop3A_508 = arith.index_cast %parallel_loop3A_59 : i32 to index
      %parallel_loop3A_509 = tpu.vector_load %arg7[%parallel_loop3A_505, %parallel_loop3A_506, %parallel_loop3A_507, %parallel_loop3A_508] {strides = array<i32>} : memref<20x4x2x128xf32, #tpu.memory_space<vmem>>, vector<16xf32>,
      tpu.vector_store %arg7[%parallel_loop3A_505, %parallel_loop3A_506, %parallel_loop3A_507, %parallel_loop3A_508], %parallel_loop3A_502 {strides = array<i32>} : memref<20x4x2x128xf32, #tpu.memory_space<vmem>>, vector<16xf32>,
    } {sc.loop_unroll_factor = 2 : i64, sc.parallel_access}
    %mul3A_15 = arith.constant 4 : i32
    %mul3A_16 = arith.muli %add3A, %mul3A_15 : i32
    "tpu.region"() ({
      %run_scoped3A = tpu.sem_alloc : memref<!tpu.dma_semaphore, #tpu.memory_space<semaphore_mem>>
      %dma_start3A_17 = arith.constant 0 : i32
      %dma_start3A_18 = arith.constant 0 : i32
      %dma_start3A_19 = arith.constant 0 : i32
      %dma_start3A_20 = tpu.memref_slice %arg4[%dma_start3A_17, %mul3A_16, %dma_start3A_18, %dma_start3A_19] : memref<20x128x2x128xf32, #tpu.memory_space<hbm>> -> memref<20x4x2x128xf32, #tpu.memory_space<hbm>>
      %dma_start3A_21 = arith.constant 0 : i32
      %dma_start3A_22 = arith.constant 0 : i32
      %dma_start3A_23 = arith.constant 0 : i32
      %dma_start3A_24 = tpu.memref_slice %arg4[%dma_start3A_21, %mul3A_16, %dma_start3A_22, %dma_start3A_23] : memref<20x128x2x128xf32, #tpu.memory_space<hbm>> -> memref<20x4x2x128xf32, #tpu.memory_space<hbm>>
      tpu.enqueue_dma source(%arg7 : memref<20x4x2x128xf32, #tpu.memory_space<vmem>>) target(%dma_start3A_24 : memref<20x4x2x128xf32, #tpu.memory_space<hbm>>) target_semaphore(%run_scoped3A : memref<!tpu.dma_semaphore, #tpu.memory_space<semaphore_mem>>)
      %dma_wait3A_25 = arith.constant 0 : i32
      %dma_wait3A_26 = arith.constant 0 : i32
      %dma_wait3A_27 = arith.constant 0 : i32
      %dma_wait3A_28 = tpu.memref_slice %arg4[%dma_wait3A_25, %mul3A_16, %dma_wait3A_26, %dma_wait3A_27] : memref<20x128x2x128xf32, #tpu.memory_space<hbm>> -> memref<20x4x2x128xf32, #tpu.memory_space<hbm>>
      %dma_wait3A_29 = arith.constant 0 : i32
      %dma_wait3A_30 = arith.constant 0 : i32
      %dma_wait3A_31 = arith.constant 0 : i32
      %dma_wait3A_32 = tpu.memref_slice %arg4[%dma_wait3A_29, %mul3A_16, %dma_wait3A_30, %dma_wait3A_31] : memref<20x128x2x128xf32, #tpu.memory_space<hbm>> -> memref<20x4x2x128xf32, #tpu.memory_space<hbm>>
      tpu.wait_dma2 semaphore(%run_scoped3A : memref<!tpu.dma_semaphore, #tpu.memory_space<semaphore_mem>>) src(%arg7 : memref<20x4x2x128xf32, #tpu.memory_space<vmem>>) dst(%dma_wait3A_32 : memref<20x4x2x128xf32, #tpu.memory_space<hbm>>)
      tpu.yield
    }) : () -> ()
    return
  }
}

</mosaic_0001>

<sc_bundles>
// kernel: kernel.3.cloned.1.call-start
scs
__scs_entry_jumppad:
0x0: {  	(pc) =	sbr.rel $0x88, $3  }
0x1: {  	(tag) =	ssettag $0x0;
	lr =	simm.s32 $0x1  }
0x2: {  	[smem:$0x3F9E] =	sst lr;
	_ =	strace $0xD0000000  }
0x3: {  	_ = 	snop  }
0x4: {  	_ = 	snop  }
0x5: {  	_ = 	snop  }
0x6: {  	_ = 	snop  }
0x7: {  	_ = 	snop  }
__scs_overlays_trampoline_lowered:
0x8: {  	[smem:$0x3FAD] =	sst s0  }
0x9: {  	[smem:$0x3FAE] =	sst s1  }
0xa: {  	[smem:$0x3FAF] =	sst s2  }
0xb: {  	[smem:$0x3FB0] =	sst s3  }
0xc: {  	[smem:$0x3FB1] =	sst s4  }
0xd: {  	[smem:$0x3FB2] =	sst s5  }
0xe: {  	[smem:$0x3FB3] =	sst s6  }
0xf: {  	[smem:$0x3FB4] =	sst s7  }
0x10: {  	[smem:$0x3FB5] =	sst s8  }
0x11: {  	[smem:$0x3FB6] =	sst s9;
	s0 =	simm.s32 @!p0 $0x0  }
0x12: {  	s1 =	sld [smem:$0x3F9C];
	s0 =	simm.s32 @p0 $0x1  }
0x13: {  	[smem:$0x3FB7] =	sst s0;
	s0 =	simm.s32 @!p1 $0x0  }
0x14: {  	s2 =	sld [smem:$0x3F9B];
	s0 =	simm.s32 @p1 $0x1  }
0x15: {  	[smem:$0x3FB8] =	sst s0;
	s0 =	simm.s32 @!p2 $0x0  }
0x16: {  	s3 =	sld [smem:$0x3FDB];
	s0 =	simm.s32 @p2 $0x1  }
0x17: {  	s4 =	simm.s32 $0x1BF5;
	[smem:$0x3FBA] =	sst s0  }
0x18: {  	s0 =	sld [smem:$0x3F9D];
	_ =	swait.ge [sflag:s4], $0x0  }
0x19: {  	s7 =	sld [smem:$0x3F9E]  }
0x1a: {  	s8 =	sadd.s32 $0xFFFFE003, lr  }
0x1b: {  	s9 =	sadd.s32 $0xFFFFFEF7, lr;
	s5 =	simm.s32 $0xFFFFFFFF;
	p2 =	slt.u32 s8, $0xFFFFF086  }
0x1c: {  	p1 =	slt.u32 s9, $0xF7A;
	s5 =	simm.s32 @!p2 $0x0  }
0x1d: {  	s5 =	simm.s32 @p1 $0x1;
	p0 =	seq.s32 s7, s2  }
0x1e: {  	s7 =	smul.u32 @!p0 $0xF7A, s2;
	p2 =	seq.s32 @!p0 s5, $0x0  }
0x1f: {  	s9 =	smul.u32 $0xF7A, s1;
	s8 =	simm.s32 @!p0 $0x1BF5;
	p2 =	por !p2, p0  }
0x20: {  	[sflag:s8] =	ssyncset.s32 @!p0 $0xFFFFF086;
	s6 =	sadd.s32 @!p0 s3, s7;
	s7 =	simm.s32 @!p0 $0x108  }
0x21: {  	s3 =	sadd.s32 s3, s9;
	s6 =	sadd.s32 @!p0 $0x88, s6;
	s7 =	simm.s32 @p2 $0x1082  }
0x22: {  	[simem:s7], [sflag:s8] =	dma.local @!p0 [hbm:s6], $0xF7A  }
0x23: {  	s9 =	sor.u32 $0xD0000000, s2;
	s6 =	simm.s32 $0x108;
	_ =	swait.ge @!p0 [sflag:s8], $0x0  }
0x24: {  	s3 =	sadd.s32 $0x88, s3;
	s6 =	simm.s32 @!p1 $0x1082;
	[sflag:s4] =	ssyncset.s32 $0xFFFFF086  }
0x25: {  	[simem:s6], [sflag:s4] =	dma.local [hbm:s3], $0xF7A  }
0x26: {  	[smem:$0x3F9E] =	sst s1;
	(tag) =	ssettag s2;
	_ =	strace s9  }
0x27: {  	s1 =	sld [smem:$0x3FAE]  }
0x28: {  	s2 =	sld [smem:$0x3FAF]  }
0x29: {  	s4 =	sld [smem:$0x3FB1]  }
0x2a: {  	p0 =	seq.s32 s5, $0x0;
	s5 =	sld [smem:$0x3FB2]  }
0x2b: {  	s6 =	sld [smem:$0x3FB3]  }
0x2c: {  	s7 =	sld [smem:$0x3FB4]  }
0x2d: {  	s3 =	simm.s32 $0x108;
	s8 =	sld [smem:$0x3FB5]  }
0x2e: {  	s3 =	simm.s32 @!p0 $0x1082;
	s9 =	sld [smem:$0x3FB6]  }
0x2f: {  	lr =	sadd.s32 s0, s3;
	s0 =	sld [smem:$0x3FAD]  }
0x30: {  	s3 =	sld [smem:$0x3FB0]  }
0x31: {  	[smem:$0x3FB9] =	sst s10  }
0x32: {  	s10 =	sld [smem:$0x3FB7];
	_ =	sdelay $0x3  }
0x33: {  	p0 =	seq.s32 s10, $0x1;
	s10 =	sld [smem:$0x3FB9];
	_ =	sdelay $0x3  }
0x34: {  	[smem:$0x3FB9] =	sst s10  }
0x35: {  	s10 =	sld [smem:$0x3FB8];
	_ =	sdelay $0x3  }
0x36: {  	p1 =	seq.s32 s10, $0x1;
	s10 =	sld [smem:$0x3FB9];
	_ =	sdelay $0x3  }
0x37: {  	[smem:$0x3FB9] =	sst s10  }
0x38: {  	s10 =	sld [smem:$0x3FBA]  }
0x39: {  	_ = 	snop;
	(pc) =	sbr.ind lr, $3  }
0x3a: {  	_ = 	snop  }
0x3b: {  	_ = 	snop  }
0x3c: {  	p2 =	seq.s32 s10, $0x1;
	s10 =	sld [smem:$0x3FB9]  }
0x3d: {  	_ =	shalt  }
0x3e: {  	_ =	shalt  }
0x3f: {  	_ =	shalt  }
0x40: {  	_ =	shalt  }
0x41: {  	_ =	shalt  }
0x42: {  	_ =	shalt  }
0x43: {  	_ =	shalt  }
0x44: {  	_ =	shalt  }
0x45: {  	_ =	shalt  }
0x46: {  	_ =	shalt  }
0x47: {  	_ =	shalt  }
0x48: {  	_ =	shalt  }
0x49: {  	_ =	shalt  }
0x4a: {  	_ =	shalt  }
0x4b: {  	_ =	shalt  }
0x4c: {  	_ =	shalt  }
0x4d: {  	_ =	shalt  }
0x4e: {  	_ =	shalt  }
0x4f: {  	_ =	shalt  }
0x50: {  	_ =	shalt  }
0x51: {  	_ =	shalt  }
0x52: {  	_ =	shalt  }
0x53: {  	_ =	shalt  }
0x54: {  	_ =	shalt  }
0x55: {  	_ =	shalt  }
0x56: {  	_ =	shalt  }
0x57: {  	_ =	shalt  }
0x58: {  	_ =	shalt  }
0x59: {  	_ =	shalt  }
0x5a: {  	_ =	shalt  }
0x5b: {  	_ =	shalt  }
0x5c: {  	_ =	shalt  }
0x5d: {  	_ =	shalt  }
0x5e: {  	_ =	shalt  }
0x5f: {  	_ =	shalt  }
0x60: {  	_ =	shalt  }
0x61: {  	_ =	shalt  }
0x62: {  	_ =	shalt  }
0x63: {  	_ =	shalt  }
0x64: {  	_ =	shalt  }
0x65: {  	_ =	shalt  }
0x66: {  	_ =	shalt  }
0x67: {  	_ =	shalt  }
0x68: {  	_ =	shalt  }
0x69: {  	_ =	shalt  }
0x6a: {  	_ =	shalt  }
0x6b: {  	_ =	shalt  }
0x6c: {  	_ =	shalt  }
0x6d: {  	_ =	shalt  }
0x6e: {  	_ =	shalt  }
0x6f: {  	_ =	shalt  }
0x70: {  	_ =	shalt  }
0x71: {  	_ =	shalt  }
0x72: {  	_ =	shalt  }
0x73: {  	_ =	shalt  }
0x74: {  	_ =	shalt  }
0x75: {  	_ =	shalt  }
0x76: {  	_ =	shalt  }
0x77: {  	_ =	shalt  }
0x78: {  	_ =	shalt  }
0x79: {  	_ =	shalt  }
0x7a: {  	_ =	shalt  }
0x7b: {  	_ =	shalt  }
0x7c: {  	_ =	shalt  }
0x7d: {  	_ =	shalt  }
0x7e: {  	_ =	shalt  }
0x7f: {  	_ =	shalt  }
0x80: {  	_ =	shalt  }
0x81: {  	_ =	shalt  }
0x82: {  	_ =	shalt  }
0x83: {  	_ =	shalt  }
0x84: {  	_ =	shalt  }
0x85: {  	_ =	shalt  }
0x86: {  	_ =	shalt  }
0x87: {  	_ =	shalt  }
.Lfunc_end0:
.L_simem_size_0:
called_computation_lowered:
.L_overlay_start_0:
0x88: {  	s2 =	sld [smem:$0x3FD9]  }
0x89: {  	s3 =	sld [smem:$0x3FFE];
	_ =	sdelay $0x1  }
0x8a: {  	s1 =	srdreg.scid  }
0x8b: {  	s0 =	sand.u32 $0x1, s1  }
0x8c: {  	s17 =	sshll.u32 s0, $0xA;
	s2 =	sadd.s32 s3, s2  }
0x8d: {  	s2 =	sadd.s32 s2, s17  }
0x8e: {  	[smem:$0x3FC5] =	sst s2  }
0x8f: {  	_ = 	snop  }
0x90: {  	s2 =	sld [smem:$0x3FC8]  }
0x91: {  	s18 =	sld [smem:$0x3FD0];
	(tm) =	ssettm $0x1  }
0x92: {  	s4 =	sld [smem:$0x3FFB];
	_ =	sdelay $0x3  }
0x93: {  	_ =	strace s4  }
0x94: {  	s4 =	sld [smem:$0x3FFC];
	_ =	sdelay $0x3  }
0x95: {  	_ =	strace s4  }
0x96: {  	s4 =	sld [smem:$0x3FFD];
	_ =	sdelay $0x3  }
0x97: {  	_ =	strace s4  }
0x98: {  	_ =	strace $0x8FFFFFFF  }
0x99: {  	s19 =	sld [smem:$0x3FDB];
	_ =	sdelay $0x1  }
0x9a: {  	s5 =	simm.s32 $_scs_section_size  }
0x9b: {  	s6 =	simm.s32 $_size__tile_overlayer_lowered;
	s7 =	simm.s32 $_tile_overlayer_lowered  }
0x9c: {  	s22 =	simm.s32 $0x1BFF;
	s21 =	sshll.u32 s7, $0x1;
	s4 =	sadd.s32 s5, s19  }
0x9d: {  	s8 =	simm.s32 $0x0;
	s20 =	sshll.u32 s6, $0x1;
	s6 =	sadd.s32 s21, s4  }
0x9e: {  	[timem:s8], [sflag:s22] =	dma.local [hbm:s6], s20  }
0x9f: {  	_ =	swait.ge [sflag:s22], s20  }
0xa0: {  	s5 =	ssub.s32 $0x0, s20;
	[sflag:s22] =	ssyncset.done $0x0  }
0xa1: {  	[sflag:s22] =	ssyncadd.s32 s5;
	_ =	sdelay $0x1  }
0xa2: {  	s23 =	simm.s32 $0x1B8B  }
0xa3: {  	_ =	swait.ge [sflag:s23], $0x1  }
0xa4: {  	[sflag:s23] =	ssyncset.done $0x0  }
0xa5: {  	s25 =	simm.s32 $0x1B8E;
	s24 =	sld [smem:$0x3FFE];
	[sflag:s23] =	ssyncadd.s32 $0xFFFFFFFF  }
0xa6: {  	s26 =	simm.s32 $execute0_lowered;
	[smem:$0x3FD2] =	sst s25  }
0xa7: {  	s6 =	sshll.u32 s26, $0x1;
	_ =	strace $0x80000046;
	[dreg:$0x1] =	wrdreg $0xFFFFFFFF  }
0xa8: {  	s28 =	simm.s32 $_size_execute0_lowered;
	s4 =	sadd.s32 s4, s6;
	[dreg:$0x0] =	wrdreg $0x0  }
0xa9: {  	s6 =	sshll.u32 s28, $0x1;
	[dreg:$0x2] =	wrdreg s4  }
0xaa: {  	[dreg:$0x3] =	wrdreg s6  }
0xab: {  	[dreg:$0x4] =	wrdreg $0xC0  }
0xac: {  	_ =	task [dreg:s8], $0x5FFFF  }
0xad: {  	[dreg:$0x1] =	wrdreg $0xFFFFFFFF  }
0xae: {  	[dreg:$0x0] =	wrdreg $0x60  }
0xaf: {  	[dreg:$0x2] =	wrdreg s24  }
0xb0: {  	[dreg:$0x3] =	wrdreg s2  }
0xb1: {  	[dreg:$0x4] =	wrdreg s18  }
0xb2: {  	[dreg:$0x5] =	wrdreg $0x9  }
0xb3: {  	_ =	task.clear_ibuf [dreg:s8], $0x6FFFF;
	_ =	strace $0x90000046  }
0xb4: {  	s29 =	simm.s32 $0x9;
	_ =	strace $0x80000048  }
0xb5: {  	_ =	swait.ge [sflag:s29], $0x1  }
0xb6: {  	[sflag:s29] =	ssyncadd.s32 $0xFFFFFFFF  }
0xb7: {  	_ =	strace $0x90000048  }
0xb8: {  	_ =	sfence  }
0xb9: {  	s30 =	sld [smem:$0x0];
	_ =	sdelay $0x2  }
0xba: {  	s31 =	sshll.u32 s1, $0xD;
	s1 =	sshrl.u32 s1, $0x2  }
0xbb: {  	s3 =	sand.u32 $0x4000, s31;
	s1 =	sadd.s32 s1, s30  }
0xbc: {  	s0 =	sor.u32 s3, s0;
	s1 =	sshll.u32 s1, $0x11  }
0xbd: {  	s0 =	sor.u32 s1, s0  }
0xbe: {  	s0 =	sadd.s32 $0x8F2B, s0  }
0xbf: {  	[sflag:s0] =	ssyncadd.remote.s32 $0x1  }
0xc0: {  	_ =	sfence.sel $0xFFFF  }
0xc1: {  	[dreg:$0x0] =	wrdreg $0xFFFFFFFF;
	(pc) =	sbr.abs _section_cstart, $3  }
0xc2: {  	[dreg:$0x1] =	wrdreg $0xFFFFFFFF  }
0xc3: {  	_ =	task.clear_ibuf [dreg:s8], $0x2FFFF;
	_ =	strace $0x9FFFFFFF  }
0xc4: {  	(tm) =	ssettm $0x7FFFFFFF  }
0xc5: {  	_ =	shalt  }
tec
execute0_lowered:
.L_overlay_start_1:
0x0: {  	(tag) =	ssettag $0x1  }
0x1: {  	s0 =	rddreg [dreg:$0x0]  }
0x2: {  	s1 =	rddreg [dreg:$0x1]  }
0x3: {  	s3 =	rddreg [dreg:$0x2];
	s2 =	simm.s32 $0x0;
	s4 =	srdreg.scid  }
0x4: {  	s6 =	stileid.u32;
	[smem:$0x7FF] =	sst s2;
	s4 =	sand.u32 $0x1, s4  }
0x5: {  	s6 =	sshll.u32 s6, $0x8;
	s5 =	ssub.s32 $0x2, s4;
	s4 =	sshll.u32 s4, $0x7  }
0x6: {  	s0 =	sadd.s32 $0x400, s0;
	_ =	strace $0x80000047;
	s4 =	sor.u32 s4, s6  }
0x7: {  	[dreg:$0x7] =	wrdreg s0;
	s30 =	sshrl.u32 s5, $0x1;
	s1 =	sadd.s32 s1, s4  }
0x8: {  	s0 =	ssub.s32 s5, s30;
	s31 =	sadd.s32 s3, s4;
	[dreg:$0x8] =	wrdreg s1  }
0x9: {  	[dreg:$0x9] =	wrdreg s31;
	s0 =	smax.u32 s0, $0x1  }
0xa: {  	s3 =	simm.s32 $0x0;
	[dreg:$0xa] =	wrdreg s0  }
.LBB2_1:
0xb: {  	[dreg:$0xb] =	wrdreg s3  }
0xc: {  	s0 =	rddreg [dreg:$0x7]  }
0xd: {  	[tilespmem:s2], [sflag:$0x1] =	stream.linear.gather [hbm4b:s0+s2], $0x500, $0x38;
	[tilespmem:$0x5900] =	vst v63  }
0xe: {  	s14 =	rddreg [dreg:$0x8];
	s1 =	simm.s32 $0x500;
	s15 =	simm.s32 $0x2  }
0xf: {  	[tilespmem:s1], [sflag:$0x2] =	stream.linear.gather [hbm4b:s14+s2], $0x400, $0x38;
	[tilespmem:$0x5900] =	vst v63  }
0x10: {  	_ =	swait.ge [sflag:s15], $0x400  }
0x11: {  	[sflag:s15] =	ssyncset.done $0x0  }
0x12: {  	s16 =	simm.s32 $0x1;
	[sflag:s15] =	ssyncadd.s32 $0xFFFFFC00  }
0x13: {  	s24 =	sand.u32 $0x60, s2;
	_ =	swait.ge [sflag:s16], $0x500  }
0x14: {  	s7 =	sand.u32 $0x300, s2;
	s0 =	sor.u32 $0x10, s24;
	[sflag:s16] =	ssyncset.done $0x0  }
0x15: {  	s1 =	sor.u32 s7, s0;
	[sflag:s16] =	ssyncadd.s32 $0xFFFFFB00  }
0x16: {  	v1 =	vld [tilespmem:s1+$0x500];
	_ =	sdelay $0x1  }
0x17: {  	s3 =	sor.u32 s24, s7  }
0x18: {  	v0 =	vld [tilespmem:s3+$0x500];
	_ =	sdelay $0x4  }
0x19: {  	v2 =	vld.idx.msk [tilespmem:v1+s2+$0x0], $0xffff  }
0x1a: {  	v3 =	vadd.s32 $0x20, v1;
	_ =	sdelay $0x1  }
0x1b: {  	v4 =	vld.idx.msk [tilespmem:v0+s2+$0x0], $0xffff  }
0x1c: {  	v5 =	vadd.s32 $0x20, v0  }
0x1d: {  	[tilespmem:s1+$0x900] =	vst v2  }
0x1e: {  	v2 =	vld.idx.msk [tilespmem:v3+s2+$0x0], $0xffff  }
0x1f: {  	v3 =	vadd.s32 $0x40, v1  }
0x20: {  	[tilespmem:s3+$0x900] =	vst v4  }
0x21: {  	s4 =	sadd.s32 $0xD00, s7;
	v4 =	vld.idx.msk [tilespmem:v5+s2+$0x0], $0xffff  }
0x22: {  	s5 =	sor.u32 s0, s4;
	v5 =	vadd.s32 $0x40, v0  }
0x23: {  	[tilespmem:s5+$0x0] =	vst v2  }
0x24: {  	v2 =	vld.idx.msk [tilespmem:v3+s2+$0x0], $0xffff  }
0x25: {  	s4 =	sor.u32 s24, s4;
	v3 =	vadd.s32 $0x60, v1  }
0x26: {  	[tilespmem:s4+$0x0] =	vst v4  }
0x27: {  	s17 =	sadd.s32 $0x1100, s7;
	v4 =	vld.idx.msk [tilespmem:v5+s2+$0x0], $0xffff  }
0x28: {  	s18 =	sor.u32 s0, s17;
	v5 =	vadd.s32 $0x60, v0  }
0x29: {  	[tilespmem:s18+$0x0] =	vst v2  }
0x2a: {  	v2 =	vld.idx.msk [tilespmem:v3+s2+$0x0], $0xffff  }
0x2b: {  	s4 =	sor.u32 s24, s17;
	v3 =	vadd.s32 $0x80, v1  }
0x2c: {  	[tilespmem:s4+$0x0] =	vst v4  }
0x2d: {  	s19 =	sadd.s32 $0x1500, s7;
	v4 =	vld.idx.msk [tilespmem:v5+s2+$0x0], $0xffff  }
0x2e: {  	s20 =	sor.u32 s0, s19;
	v5 =	vadd.s32 $0x80, v0  }
0x2f: {  	[tilespmem:s20+$0x0] =	vst v2  }
0x30: {  	v2 =	vld.idx.msk [tilespmem:v3+s2+$0x0], $0xffff  }
0x31: {  	s4 =	sor.u32 s24, s19;
	v3 =	vadd.s32 $0xA0, v1  }
0x32: {  	[tilespmem:s4+$0x0] =	vst v4  }
0x33: {  	s21 =	sadd.s32 $0x1900, s7;
	v4 =	vld.idx.msk [tilespmem:v5+s2+$0x0], $0xffff  }
0x34: {  	s22 =	sor.u32 s0, s21;
	v5 =	vadd.s32 $0xA0, v0  }
0x35: {  	[tilespmem:s22+$0x0] =	vst v2  }
0x36: {  	v2 =	vld.idx.msk [tilespmem:v3+s2+$0x0], $0xffff  }
0x37: {  	s4 =	sor.u32 s24, s21;
	v3 =	vadd.s32 $0xC0, v1  }
0x38: {  	[tilespmem:s4+$0x0] =	vst v4  }
0x39: {  	s23 =	sadd.s32 $0x1D00, s7;
	v4 =	vld.idx.msk [tilespmem:v5+s2+$0x0], $0xffff  }
0x3a: {  	s25 =	sor.u32 s0, s23;
	v5 =	vadd.s32 $0xC0, v0  }
0x3b: {  	[tilespmem:s25+$0x0] =	vst v2  }
0x3c: {  	v2 =	vld.idx.msk [tilespmem:v3+s2+$0x0], $0xffff  }
0x3d: {  	s4 =	sor.u32 s24, s23;
	v3 =	vadd.s32 $0xE0, v1  }
0x3e: {  	[tilespmem:s4+$0x0] =	vst v4  }
0x3f: {  	s26 =	sadd.s32 $0x2100, s7;
	v4 =	vld.idx.msk [tilespmem:v5+s2+$0x0], $0xffff  }
0x40: {  	s31 =	sor.u32 s0, s26;
	v5 =	vadd.s32 $0xE0, v0  }
0x41: {  	[tilespmem:s31+$0x0] =	vst v2  }
0x42: {  	v2 =	vld.idx.msk [tilespmem:v3+s2+$0x0], $0xffff  }
0x43: {  	s4 =	sor.u32 s24, s26;
	v3 =	vadd.s32 $0x100, v1  }
0x44: {  	[tilespmem:s4+$0x0] =	vst v4  }
0x45: {  	s6 =	sadd.s32 $0x2500, s7;
	v4 =	vld.idx.msk [tilespmem:v5+s2+$0x0], $0xffff  }
0x46: {  	s8 =	sor.u32 s0, s6;
	v5 =	vadd.s32 $0x100, v0  }
0x47: {  	[tilespmem:s8+$0x0] =	vst v2  }
0x48: {  	v2 =	vld.idx.msk [tilespmem:v3+s2+$0x0], $0xffff  }
0x49: {  	s4 =	sor.u32 s24, s6;
	v3 =	vadd.s32 $0x120, v1  }
0x4a: {  	[tilespmem:s4+$0x0] =	vst v4  }
0x4b: {  	s9 =	sadd.s32 $0x2900, s7;
	v4 =	vld.idx.msk [tilespmem:v5+s2+$0x0], $0xffff  }
0x4c: {  	s10 =	sor.u32 s0, s9;
	v5 =	vadd.s32 $0x120, v0  }
0x4d: {  	[tilespmem:s10+$0x0] =	vst v2  }
0x4e: {  	v2 =	vld.idx.msk [tilespmem:v3+s2+$0x0], $0xffff  }
0x4f: {  	s4 =	sor.u32 s24, s9;
	v3 =	vadd.s32 $0x140, v1  }
0x50: {  	[tilespmem:s4+$0x0] =	vst v4  }
0x51: {  	s11 =	sadd.s32 $0x2D00, s7;
	v4 =	vld.idx.msk [tilespmem:v5+s2+$0x0], $0xffff  }
0x52: {  	s12 =	sor.u32 s0, s11;
	s6 =	simm.s32 $0x20;
	v5 =	vadd.s32 $0x140, v0  }
0x53: {  	s13 =	simm.s32 $0x40;
	s28 =	sand.u32 $0x60, s6;
	[tilespmem:s12+$0x0] =	vst v2  }
0x54: {  	s30 =	sand.u32 $0x300, s13;
	s29 =	sor.u32 $0x10, s28;
	v6 =	vld.idx.msk [tilespmem:v3+s2+$0x0], $0xffff  }
0x55: {  	v7 =	vadd.s32 $0x160, v1;
	s4 =	sor.u32 s24, s11;
	s12 =	sor.u32 s30, s29  }
0x56: {  	[tilespmem:s4+$0x0] =	vst v4;
	v2 =	vld [tilespmem:s12+$0x500]  }
0x57: {  	s14 =	sadd.s32 $0x3100, s7;
	v4 =	vld.idx.msk [tilespmem:v5+s2+$0x0], $0xffff  }
0x58: {  	s15 =	sor.u32 s0, s14;
	s10 =	sor.u32 s28, s30;
	v5 =	vadd.s32 $0x160, v0  }
0x59: {  	v3 =	vld [tilespmem:s10+$0x500];
	[tilespmem:s15+$0x0] =	vst v6  }
0x5a: {  	v6 =	vld.idx.msk [tilespmem:v7+s2+$0x0], $0xffff  }
0x5b: {  	s4 =	sor.u32 s24, s14;
	v7 =	vadd.s32 $0x180, v1  }
0x5c: {  	[tilespmem:s4+$0x0] =	vst v4  }
0x5d: {  	s16 =	sadd.s32 $0x3500, s7;
	v4 =	vld.idx.msk [tilespmem:v5+s2+$0x0], $0xffff  }
0x5e: {  	s17 =	sor.u32 s0, s16  }
0x5f: {  	v5 =	vadd.s32 $0x180, v0;
	v8 =	vld.idx.msk [tilespmem:v2+s2+$0x0], $0xffff;
	[tilespmem:s17+$0x0] =	vst v6  }
0x60: {  	v6 =	vadd.s32 $0x20, v2;
	v7 =	vld.idx.msk [tilespmem:v7+s2+$0x0], $0xffff  }
0x61: {  	v9 =	vadd.s32 $0x1A0, v1;
	s4 =	sor.u32 s24, s16  }
0x62: {  	[tilespmem:s4+$0x0] =	vst v4;
	v4 =	vld.idx.msk [tilespmem:v3+s2+$0x0], $0xffff  }
0x63: {  	s18 =	sadd.s32 $0x3900, s7;
	v10 =	vadd.s32 $0x20, v3  }
0x64: {  	s19 =	sor.u32 s0, s18;
	v5 =	vld.idx.msk [tilespmem:v5+s2+$0x0], $0xffff;
	[tilespmem:s12+$0x900] =	vst v8  }
0x65: {  	v8 =	vadd.s32 $0x1A0, v0;
	v6 =	vld.idx.msk [tilespmem:v6+s2+$0x0], $0xffff;
	[tilespmem:s19+$0x0] =	vst v7  }
0x66: {  	v7 =	vadd.s32 $0x40, v2;
	v9 =	vld.idx.msk [tilespmem:v9+s2+$0x0], $0xffff  }
0x67: {  	[tilespmem:s10+$0x900] =	vst v4;
	v4 =	vadd.s32 $0x1C0, v1  }
0x68: {  	s20 =	sadd.s32 $0xD00, s30;
	s4 =	sor.u32 s24, s18;
	v10 =	vld.idx.msk [tilespmem:v10+s2+$0x0], $0xffff  }
0x69: {  	s22 =	sadd.s32 $0x3D00, s7;
	s21 =	sor.u32 s29, s20;
	[tilespmem:s4+$0x0] =	vst v5;
	v5 =	vadd.s32 $0x40, v3  }
0x6a: {  	s23 =	sor.u32 s0, s22;
	v8 =	vld.idx.msk [tilespmem:v8+s2+$0x0], $0xffff;
	[tilespmem:s21+$0x0] =	vst v6  }
0x6b: {  	v6 =	vadd.s32 $0x1C0, v0;
	v7 =	vld.idx.msk [tilespmem:v7+s2+$0x0], $0xffff;
	[tilespmem:s23+$0x0] =	vst v9  }
0x6c: {  	s25 =	sor.u32 s28, s20;
	v9 =	vadd.s32 $0x60, v2;
	v4 =	vld.idx.msk [tilespmem:v4+s2+$0x0], $0xffff  }
0x6d: {  	[tilespmem:s25+$0x0] =	vst v10;
	v10 =	vadd.s32 $0x1E0, v1  }
0x6e: {  	s26 =	sor.u32 s24, s22;
	s31 =	sadd.s32 $0x1100, s30;
	v5 =	vld.idx.msk [tilespmem:v5+s2+$0x0], $0xffff  }
0x6f: {  	s6 =	sor.u32 s29, s31;
	s8 =	sadd.s32 $0x4100, s7;
	[tilespmem:s26+$0x0] =	vst v8;
	v8 =	vadd.s32 $0x60, v3  }
0x70: {  	s9 =	sor.u32 s0, s8;
	v6 =	vld.idx.msk [tilespmem:v6+s2+$0x0], $0xffff;
	[tilespmem:s6+$0x0] =	vst v7  }
0x71: {  	v7 =	vadd.s32 $0x1E0, v0;
	v9 =	vld.idx.msk [tilespmem:v9+s2+$0x0], $0xffff;
	[tilespmem:s9+$0x0] =	vst v4  }
0x72: {  	s4 =	sor.u32 s28, s31;
	v4 =	vadd.s32 $0x80, v2;
	v10 =	vld.idx.msk [tilespmem:v10+s2+$0x0], $0xffff  }
0x73: {  	[tilespmem:s4+$0x0] =	vst v5;
	v5 =	vadd.s32 $0x200, v1  }
0x74: {  	s13 =	sadd.s32 $0x1500, s30;
	s11 =	sor.u32 s24, s8;
	v8 =	vld.idx.msk [tilespmem:v8+s2+$0x0], $0xffff  }
0x75: {  	s14 =	sor.u32 s29, s13;
	s15 =	sadd.s32 $0x4500, s7;
	[tilespmem:s11+$0x0] =	vst v6;
	v6 =	vadd.s32 $0x80, v3  }
0x76: {  	s16 =	sor.u32 s0, s15;
	v7 =	vld.idx.msk [tilespmem:v7+s2+$0x0], $0xffff;
	[tilespmem:s14+$0x0] =	vst v9  }
0x77: {  	v9 =	vadd.s32 $0x200, v0;
	v4 =	vld.idx.msk [tilespmem:v4+s2+$0x0], $0xffff;
	[tilespmem:s16+$0x0] =	vst v10  }
0x78: {  	s4 =	sor.u32 s28, s13;
	v10 =	vadd.s32 $0xA0, v2;
	v5 =	vld.idx.msk [tilespmem:v5+s2+$0x0], $0xffff  }
0x79: {  	[tilespmem:s4+$0x0] =	vst v8;
	v8 =	vadd.s32 $0x220, v1  }
0x7a: {  	s17 =	sor.u32 s24, s15;
	s18 =	sadd.s32 $0x1900, s30;
	v6 =	vld.idx.msk [tilespmem:v6+s2+$0x0], $0xffff  }
0x7b: {  	s20 =	sadd.s32 $0x4900, s7;
	v11 =	vadd.s32 $0xA0, v3;
	s19 =	sor.u32 s29, s18;
	[tilespmem:s17+$0x0] =	vst v7  }
0x7c: {  	s21 =	sor.u32 s0, s20;
	v7 =	vld.idx.msk [tilespmem:v9+s2+$0x0], $0xffff;
	[tilespmem:s19+$0x0] =	vst v4  }
0x7d: {  	v4 =	vadd.s32 $0x220, v0;
	v9 =	vld.idx.msk [tilespmem:v10+s2+$0x0], $0xffff;
	[tilespmem:s21+$0x0] =	vst v5  }
0x7e: {  	s22 =	sor.u32 s28, s18;
	v5 =	vld.idx.msk [tilespmem:v8+s2+$0x0], $0xffff;
	v8 =	vadd.s32 $0xC0, v2  }
0x7f: {  	[tilespmem:s22+$0x0] =	vst v6;
	v6 =	vadd.s32 $0x240, v1  }
0x80: {  	s25 =	sadd.s32 $0x1D00, s30;
	s23 =	sor.u32 s24, s20;
	v10 =	vld.idx.msk [tilespmem:v11+s2+$0x0], $0xffff  }
0x81: {  	s31 =	sadd.s32 $0x4D00, s7;
	s26 =	sor.u32 s29, s25;
	v11 =	vadd.s32 $0xC0, v3;
	[tilespmem:s23+$0x0] =	vst v7  }
0x82: {  	s8 =	sor.u32 s0, s31;
	v4 =	vld.idx.msk [tilespmem:v4+s2+$0x0], $0xffff;
	[tilespmem:s26+$0x0] =	vst v9  }
0x83: {  	v7 =	vadd.s32 $0x240, v0;
	v8 =	vld.idx.msk [tilespmem:v8+s2+$0x0], $0xffff;
	[tilespmem:s8+$0x0] =	vst v5  }
0x84: {  	s9 =	sor.u32 s28, s25;
	v5 =	vld.idx.msk [tilespmem:v6+s2+$0x0], $0xffff;
	v6 =	vadd.s32 $0xE0, v2  }
0x85: {  	v1 =	vadd.s32 $0x260, v1;
	[tilespmem:s9+$0x0] =	vst v10  }
0x86: {  	s13 =	sadd.s32 $0x2100, s30;
	s11 =	sor.u32 s24, s31;
	v9 =	vld.idx.msk [tilespmem:v11+s2+$0x0], $0xffff  }
0x87: {  	s15 =	sadd.s32 $0x5100, s7;
	s14 =	sor.u32 s29, s13;
	v10 =	vadd.s32 $0xE0, v3;
	[tilespmem:s11+$0x0] =	vst v4  }
0x88: {  	s16 =	sor.u32 s0, s15;
	v4 =	vld.idx.msk [tilespmem:v7+s2+$0x0], $0xffff;
	[tilespmem:s14+$0x0] =	vst v8  }
0x89: {  	v0 =	vadd.s32 $0x260, v0;
	v6 =	vld.idx.msk [tilespmem:v6+s2+$0x0], $0xffff;
	[tilespmem:s16+$0x0] =	vst v5  }
0x8a: {  	s17 =	sor.u32 s28, s13;
	v5 =	vadd.s32 $0x100, v2;
	v1 =	vld.idx.msk [tilespmem:v1+s2+$0x0], $0xffff  }
0x8b: {  	[tilespmem:s17+$0x0] =	vst v9  }
0x8c: {  	s18 =	sor.u32 s24, s15;
	s19 =	sadd.s32 $0x2500, s30;
	v7 =	vld.idx.msk [tilespmem:v10+s2+$0x0], $0xffff  }
0x8d: {  	s20 =	sor.u32 s29, s19;
	s21 =	sadd.s32 $0x5500, s7;
	v8 =	vadd.s32 $0x100, v3;
	[tilespmem:s18+$0x0] =	vst v4  }
0x8e: {  	s22 =	sor.u32 s0, s21;
	v4 =	vld.idx.msk [tilespmem:v0+s2+$0x0], $0xffff;
	[tilespmem:s20+$0x0] =	vst v6  }
0x8f: {  	v5 =	vld.idx.msk [tilespmem:v5+s2+$0x0], $0xffff;
	[tilespmem:s22+$0x0] =	vst v1  }
0x90: {  	s23 =	sor.u32 s28, s19;
	v0 =	vld [tilespmem:s1+$0x580]  }
0x91: {  	v6 =	vadd.s32 $0x120, v2;
	[tilespmem:s23+$0x0] =	vst v7  }
0x92: {  	v7 =	vld.idx.msk [tilespmem:v8+s2+$0x0], $0xffff  }
0x93: {  	s25 =	sor.u32 s24, s21;
	s26 =	sadd.s32 $0x2900, s30;
	v8 =	vadd.s32 $0x120, v3  }
0x94: {  	s31 =	sor.u32 s29, s26;
	[tilespmem:s25+$0x0] =	vst v4  }
0x95: {  	v1 =	vld [tilespmem:s3+$0x580];
	[tilespmem:s31+$0x0] =	vst v5;
	v4 =	vadd.s32 $0x280, v0  }
0x96: {  	s6 =	sor.u32 s28, s26;
	v5 =	vld.idx.msk [tilespmem:v6+s2+$0x0], $0xffff  }
0x97: {  	[tilespmem:s6+$0x0] =	vst v7;
	v6 =	vadd.s32 $0x140, v2  }
0x98: {  	v7 =	vld.idx.msk [tilespmem:v8+s2+$0x0], $0xffff  }
0x99: {  	s8 =	sadd.s32 $0x2D00, s30;
	v8 =	vadd.s32 $0x140, v3  }
0x9a: {  	s9 =	sor.u32 s29, s8;
	v9 =	vadd.s32 $0x280, v1;
	v4 =	vld.idx.msk [tilespmem:v4+s2+$0x0], $0xffff  }
0x9b: {  	v10 =	vadd.s32 $0x2A0, v0;
	[tilespmem:s9+$0x0] =	vst v5  }
0x9c: {  	s4 =	sor.u32 s28, s8;
	v5 =	vld.idx.msk [tilespmem:v6+s2+$0x0], $0xffff  }
0x9d: {  	s11 =	simm.s32 $0x40;
	[tilespmem:s4+$0x0] =	vst v7;
	v6 =	vadd.s32 $0x160, v2  }
0x9e: {  	s13 =	simm.s32 $0x80;
	s15 =	sand.u32 $0x60, s11;
	v8 =	vld.idx.msk [tilespmem:v8+s2+$0x0], $0xffff  }
0x9f: {  	v11 =	vadd.s32 $0x160, v3;
	s14 =	sadd.s32 $0x3100, s30;
	s17 =	sand.u32 $0x300, s13;
	s16 =	sor.u32 $0x10, s15;
	v9 =	vld.idx.msk [tilespmem:v9+s2+$0x0], $0xffff;
	[tilespmem:s1+$0x980] =	vst v4  }
0xa0: {  	s18 =	sor.u32 s29, s14;
	s1 =	sor.u32 s17, s16;
	v4 =	vld.idx.msk [tilespmem:v10+s2+$0x0], $0xffff  }
0xa1: {  	v7 =	vld [tilespmem:s1+$0x500];
	v10 =	vadd.s32 $0x2C0, v0;
	[tilespmem:s18+$0x0] =	vst v5  }
0xa2: {  	s11 =	sor.u32 s15, s17;
	s4 =	sor.u32 s28, s14;
	v5 =	vadd.s32 $0x2A0, v1;
	v12 =	vld.idx.msk [tilespmem:v6+s2+$0x0], $0xffff  }
0xa3: {  	s19 =	sadd.s32 $0xD80, s7;
	v6 =	vld [tilespmem:s11+$0x500];
	[tilespmem:s4+$0x0] =	vst v8;
	v8 =	vadd.s32 $0x180, v2  }
0xa4: {  	s20 =	sor.u32 s0, s19;
	v11 =	vld.idx.msk [tilespmem:v11+s2+$0x0], $0xffff  }
0xa5: {  	v13 =	vadd.s32 $0x180, v3;
	s21 =	sadd.s32 $0x3500, s30;
	[tilespmem:s20+$0x0] =	vst v4  }
0xa6: {  	s22 =	sor.u32 s29, s21;
	[tilespmem:s3+$0x980] =	vst v9;
	v4 =	vld.idx.msk [tilespmem:v10+s2+$0x0], $0xffff  }
0xa7: {  	v9 =	vadd.s32 $0x2E0, v0;
	v5 =	vld.idx.msk [tilespmem:v5+s2+$0x0], $0xffff;
	[tilespmem:s22+$0x0] =	vst v12  }
0xa8: {  	s23 =	sor.u32 s28, s21;
	v10 =	vadd.s32 $0x2C0, v1;
	v8 =	vld.idx.msk [tilespmem:v8+s2+$0x0], $0xffff  }
0xa9: {  	s25 =	sadd.s32 $0x1180, s7;
	[tilespmem:s23+$0x0] =	vst v11;
	v11 =	vadd.s32 $0x1A0, v2;
	v12 =	vld.idx.msk [tilespmem:v7+s2+$0x0], $0xffff  }
0xaa: {  	s26 =	sor.u32 s0, s25;
	v14 =	vadd.s32 $0x20, v7;
	v13 =	vld.idx.msk [tilespmem:v13+s2+$0x0], $0xffff  }
0xab: {  	v15 =	vadd.s32 $0x1A0, v3;
	s31 =	sadd.s32 $0x3900, s30;
	s4 =	sor.u32 s24, s19;
	v16 =	vld.idx.msk [tilespmem:v6+s2+$0x0], $0xffff;
	[tilespmem:s26+$0x0] =	vst v4  }
0xac: {  	s6 =	sor.u32 s29, s31;
	[tilespmem:s4+$0x0] =	vst v5;
	v4 =	vadd.s32 $0x20, v6;
	v5 =	vld.idx.msk [tilespmem:v9+s2+$0x0], $0xffff  }
0xad: {  	v9 =	vld.idx.msk [tilespmem:v10+s2+$0x0], $0xffff;
	v10 =	vadd.s32 $0x300, v0;
	[tilespmem:s6+$0x0] =	vst v8  }
0xae: {  	s8 =	sor.u32 s28, s31;
	v8 =	vadd.s32 $0x2E0, v1;
	[tilespmem:s1+$0x900] =	vst v12;
	v11 =	vld.idx.msk [tilespmem:v11+s2+$0x0], $0xffff  }
0xaf: {  	s9 =	sadd.s32 $0x1580, s7;
	[tilespmem:s8+$0x0] =	vst v13;
	v13 =	vadd.s32 $0x1C0, v2;
	v12 =	vld.idx.msk [tilespmem:v14+s2+$0x0], $0xffff  }
0xb0: {  	s13 =	sor.u32 s0, s9;
	[tilespmem:s11+$0x900] =	vst v16;
	v14 =	vadd.s32 $0x40, v7;
	v15 =	vld.idx.msk [tilespmem:v15+s2+$0x0], $0xffff  }
0xb1: {  	s14 =	sadd.s32 $0x3D00, s30;
	s3 =	sor.u32 s24, s25;
	v16 =	vadd.s32 $0x1C0, v3;
	v4 =	vld.idx.msk [tilespmem:v4+s2+$0x0], $0xffff;
	[tilespmem:s13+$0x0] =	vst v5  }
0xb2: {  	s18 =	sadd.s32 $0xD00, s17;
	s19 =	sor.u32 s29, s14;
	v5 =	vadd.s32 $0x40, v6;
	[tilespmem:s3+$0x0] =	vst v9;
	v10 =	vld.idx.msk [tilespmem:v10+s2+$0x0], $0xffff  }
0xb3: {  	s8 =	sor.u32 s16, s18;
	v9 =	vadd.s32 $0x320, v0;
	v8 =	vld.idx.msk [tilespmem:v8+s2+$0x0], $0xffff;
	[tilespmem:s19+$0x0] =	vst v11  }
0xb4: {  	s20 =	sor.u32 s28, s14;
	v11 =	vadd.s32 $0x300, v1;
	[tilespmem:s8+$0x0] =	vst v12;
	v12 =	vld.idx.msk [tilespmem:v13+s2+$0x0], $0xffff  }
0xb5: {  	s21 =	sor.u32 s15, s18;
	s22 =	sadd.s32 $0x1980, s7;
	[tilespmem:s20+$0x0] =	vst v15;
	v13 =	vld.idx.msk [tilespmem:v14+s2+$0x0], $0xffff;
	v14 =	vadd.s32 $0x1E0, v2  }
0xb6: {  	s23 =	sor.u32 s0, s22;
	v15 =	vld.idx.msk [tilespmem:v16+s2+$0x0], $0xffff;
	[tilespmem:s21+$0x0] =	vst v4;
	v4 =	vadd.s32 $0x60, v7  }
0xb7: {  	s25 =	sor.u32 s24, s9;
	s26 =	sadd.s32 $0x4100, s30;
	v16 =	vadd.s32 $0x1E0, v3;
	v5 =	vld.idx.msk [tilespmem:v5+s2+$0x0], $0xffff;
	[tilespmem:s23+$0x0] =	vst v10  }
0xb8: {  	s31 =	sadd.s32 $0x1100, s17;
	s9 =	sor.u32 s29, s26;
	v10 =	vadd.s32 $0x60, v6;
	[tilespmem:s25+$0x0] =	vst v8;
	v9 =	vld.idx.msk [tilespmem:v9+s2+$0x0], $0xffff  }
0xb9: {  	s13 =	sor.u32 s16, s31;
	v8 =	vld.idx.msk [tilespmem:v11+s2+$0x0], $0xffff;
	v11 =	vadd.s32 $0x340, v0;
	[tilespmem:s9+$0x0] =	vst v12  }
0xba: {  	s3 =	sor.u32 s28, s26;
	v12 =	vadd.s32 $0x320, v1;
	[tilespmem:s13+$0x0] =	vst v13;
	v13 =	vld.idx.msk [tilespmem:v14+s2+$0x0], $0xffff  }
0xbb: {  	s14 =	sor.u32 s15, s31;
	s18 =	sadd.s32 $0x1D80, s7;
	[tilespmem:s3+$0x0] =	vst v15;
	v14 =	vadd.s32 $0x200, v2;
	v4 =	vld.idx.msk [tilespmem:v4+s2+$0x0], $0xffff  }
0xbc: {  	s19 =	sor.u32 s0, s18;
	v15 =	vld.idx.msk [tilespmem:v16+s2+$0x0], $0xffff;
	[tilespmem:s14+$0x0] =	vst v5;
	v5 =	vadd.s32 $0x80, v7  }
0xbd: {  	s20 =	sor.u32 s24, s22;
	s21 =	sadd.s32 $0x4500, s30;
	v16 =	vadd.s32 $0x200, v3;
	v10 =	vld.idx.msk [tilespmem:v10+s2+$0x0], $0xffff;
	[tilespmem:s19+$0x0] =	vst v9  }
0xbe: {  	s22 =	sadd.s32 $0x1500, s17;
	s23 =	sor.u32 s29, s21;
	v9 =	vadd.s32 $0x80, v6;
	[tilespmem:s20+$0x0] =	vst v8;
	v11 =	vld.idx.msk [tilespmem:v11+s2+$0x0], $0xffff  }
0xbf: {  	s25 =	sor.u32 s16, s22;
	v8 =	vld.idx.msk [tilespmem:v12+s2+$0x0], $0xffff;
	v12 =	vadd.s32 $0x360, v0;
	[tilespmem:s23+$0x0] =	vst v13  }
0xc0: {  	s3 =	sor.u32 s28, s21;
	v13 =	vadd.s32 $0x340, v1;
	[tilespmem:s25+$0x0] =	vst v4;
	v4 =	vld.idx.msk [tilespmem:v14+s2+$0x0], $0xffff  }
0xc1: {  	s31 =	sadd.s32 $0x2180, s7;
	s26 =	sor.u32 s15, s22;
	[tilespmem:s3+$0x0] =	vst v15;
	v14 =	vadd.s32 $0x220, v2;
	v5 =	vld.idx.msk [tilespmem:v5+s2+$0x0], $0xffff  }
0xc2: {  	s4 =	sor.u32 s0, s31;
	v15 =	vld.idx.msk [tilespmem:v16+s2+$0x0], $0xffff;
	[tilespmem:s26+$0x0] =	vst v10;
	v10 =	vadd.s32 $0xA0, v7  }
0xc3: {  	s8 =	sor.u32 s24, s18;
	s9 =	sadd.s32 $0x4900, s30;
	v16 =	vadd.s32 $0x220, v3;
	v9 =	vld.idx.msk [tilespmem:v9+s2+$0x0], $0xffff;
	[tilespmem:s4+$0x0] =	vst v11  }
0xc4: {  	s13 =	sadd.s32 $0x1900, s17;
	s14 =	sor.u32 s29, s9;
	v11 =	vadd.s32 $0xA0, v6;
	[tilespmem:s8+$0x0] =	vst v8;
	v12 =	vld.idx.msk [tilespmem:v12+s2+$0x0], $0xffff  }
0xc5: {  	s18 =	sor.u32 s16, s13;
	v8 =	vld.idx.msk [tilespmem:v13+s2+$0x0], $0xffff;
	[tilespmem:s14+$0x0] =	vst v4;
	v4 =	vadd.s32 $0x380, v0  }
0xc6: {  	s3 =	sor.u32 s28, s9;
	v13 =	vadd.s32 $0x360, v1;
	[tilespmem:s18+$0x0] =	vst v5;
	v5 =	vld.idx.msk [tilespmem:v14+s2+$0x0], $0xffff  }
0xc7: {  	s19 =	sor.u32 s15, s13;
	s20 =	sadd.s32 $0x2580, s7;
	[tilespmem:s3+$0x0] =	vst v15;
	v14 =	vadd.s32 $0x240, v2;
	v10 =	vld.idx.msk [tilespmem:v10+s2+$0x0], $0xffff  }
0xc8: {  	s21 =	sor.u32 s0, s20;
	v15 =	vld.idx.msk [tilespmem:v16+s2+$0x0], $0xffff;
	[tilespmem:s19+$0x0] =	vst v9;
	v9 =	vadd.s32 $0xC0, v7  }
0xc9: {  	s22 =	sor.u32 s24, s31;
	s23 =	sadd.s32 $0x4D00, s30;
	v16 =	vadd.s32 $0x240, v3;
	v11 =	vld.idx.msk [tilespmem:v11+s2+$0x0], $0xffff;
	[tilespmem:s21+$0x0] =	vst v12  }
0xca: {  	s25 =	sadd.s32 $0x1D00, s17;
	s26 =	sor.u32 s29, s23;
	v12 =	vadd.s32 $0xC0, v6;
	[tilespmem:s22+$0x0] =	vst v8;
	v4 =	vld.idx.msk [tilespmem:v4+s2+$0x0], $0xffff  }
0xcb: {  	s31 =	sor.u32 s16, s25;
	v8 =	vld.idx.msk [tilespmem:v13+s2+$0x0], $0xffff;
	[tilespmem:s26+$0x0] =	vst v5;
	v5 =	vadd.s32 $0x3A0, v0  }
0xcc: {  	s3 =	sor.u32 s28, s23;
	v13 =	vadd.s32 $0x380, v1;
	[tilespmem:s31+$0x0] =	vst v10;
	v10 =	vld.idx.msk [tilespmem:v14+s2+$0x0], $0xffff  }
0xcd: {  	s13 =	sadd.s32 $0x2980, s7;
	s9 =	sor.u32 s15, s25;
	v2 =	vadd.s32 $0x260, v2;
	[tilespmem:s3+$0x0] =	vst v15;
	v9 =	vld.idx.msk [tilespmem:v9+s2+$0x0], $0xffff  }
0xce: {  	s14 =	sor.u32 s0, s13;
	v14 =	vld.idx.msk [tilespmem:v16+s2+$0x0], $0xffff;
	[tilespmem:s9+$0x0] =	vst v11;
	v11 =	vadd.s32 $0xE0, v7  }
0xcf: {  	s5 =	sor.u32 s24, s20;
	s18 =	sadd.s32 $0x5100, s30;
	v3 =	vadd.s32 $0x260, v3;
	v12 =	vld.idx.msk [tilespmem:v12+s2+$0x0], $0xffff;
	[tilespmem:s14+$0x0] =	vst v4  }
0xd0: {  	s20 =	sor.u32 s29, s18;
	s19 =	sadd.s32 $0x2100, s17;
	v4 =	vadd.s32 $0xE0, v6;
	[tilespmem:s5+$0x0] =	vst v8;
	v5 =	vld.idx.msk [tilespmem:v5+s2+$0x0], $0xffff  }
0xd1: {  	s21 =	sor.u32 s16, s19;
	v8 =	vld.idx.msk [tilespmem:v13+s2+$0x0], $0xffff;
	[tilespmem:s20+$0x0] =	vst v10;
	v10 =	vadd.s32 $0x3C0, v0  }
0xd2: {  	s4 =	sor.u32 s28, s18;
	v13 =	vadd.s32 $0x3A0, v1;
	[tilespmem:s21+$0x0] =	vst v9;
	v2 =	vld.idx.msk [tilespmem:v2+s2+$0x0], $0xffff  }
0xd3: {  	s23 =	sadd.s32 $0x2D80, s7;
	s22 =	sor.u32 s15, s19;
	[tilespmem:s4+$0x0] =	vst v14;
	v9 =	vld.idx.msk [tilespmem:v11+s2+$0x0], $0xffff  }
0xd4: {  	s25 =	sor.u32 s0, s23;
	v11 =	vadd.s32 $0x100, v7;
	v3 =	vld.idx.msk [tilespmem:v3+s2+$0x0], $0xffff;
	[tilespmem:s22+$0x0] =	vst v12  }
0xd5: {  	s26 =	sadd.s32 $0x5500, s30;
	s3 =	sor.u32 s24, s13;
	v4 =	vld.idx.msk [tilespmem:v4+s2+$0x0], $0xffff;
	[tilespmem:s25+$0x0] =	vst v5  }
0xd6: {  	s31 =	sadd.s32 $0x2500, s17;
	s8 =	sor.u32 s29, s26;
	v12 =	vadd.s32 $0x100, v6;
	[tilespmem:s3+$0x0] =	vst v8;
	v8 =	vld.idx.msk [tilespmem:v10+s2+$0x0], $0xffff  }
0xd7: {  	s9 =	sor.u32 s16, s31;
	v10 =	vld.idx.msk [tilespmem:v13+s2+$0x0], $0xffff;
	[tilespmem:s8+$0x0] =	vst v2  }
0xd8: {  	s13 =	sor.u32 s28, s26;
	v2 =	vadd.s32 $0x3E0, v0;
	[tilespmem:s9+$0x0] =	vst v9;
	v5 =	vld [tilespmem:s12+$0x580]  }
0xd9: {  	s14 =	sor.u32 s15, s31;
	[tilespmem:s13+$0x0] =	vst v3;
	v9 =	vld.idx.msk [tilespmem:v11+s2+$0x0], $0xffff  }
0xda: {  	s18 =	sadd.s32 $0x3180, s7;
	v11 =	vadd.s32 $0x3C0, v1;
	v3 =	vld [tilespmem:s10+$0x580];
	[tilespmem:s14+$0x0] =	vst v4  }
0xdb: {  	s19 =	sor.u32 s0, s18;
	v4 =	vld.idx.msk [tilespmem:v12+s2+$0x0], $0xffff;
	v12 =	vadd.s32 $0x120, v7  }
0xdc: {  	v13 =	vadd.s32 $0x120, v6;
	[tilespmem:s19+$0x0] =	vst v8  }
0xdd: {  	s20 =	sadd.s32 $0x2900, s17;
	s4 =	sor.u32 s24, s23;
	v2 =	vld.idx.msk [tilespmem:v2+s2+$0x0], $0xffff;
	v8 =	vadd.s32 $0x280, v5  }
0xde: {  	s21 =	sor.u32 s16, s20;
	[tilespmem:s4+$0x0] =	vst v10;
	v10 =	vadd.s32 $0x400, v0  }
0xdf: {  	s5 =	sor.u32 s15, s20;
	v11 =	vld.idx.msk [tilespmem:v11+s2+$0x0], $0xffff;
	[tilespmem:s21+$0x0] =	vst v9;
	v9 =	vadd.s32 $0x280, v3  }
0xe0: {  	v14 =	vadd.s32 $0x3E0, v1;
	s22 =	sadd.s32 $0x3580, s7;
	[tilespmem:s5+$0x0] =	vst v4;
	v4 =	vld.idx.msk [tilespmem:v12+s2+$0x0], $0xffff  }
0xe1: {  	s23 =	sor.u32 s0, s22;
	v12 =	vld.idx.msk [tilespmem:v13+s2+$0x0], $0xffff;
	v13 =	vadd.s32 $0x140, v7  }
0xe2: {  	v15 =	vadd.s32 $0x140, v6;
	v8 =	vld.idx.msk [tilespmem:v8+s2+$0x0], $0xffff;
	[tilespmem:s23+$0x0] =	vst v2  }
0xe3: {  	s3 =	sor.u32 s24, s18;
	s25 =	sadd.s32 $0x2D00, s17;
	v2 =	vld.idx.msk [tilespmem:v10+s2+$0x0], $0xffff;
	v10 =	vadd.s32 $0x2A0, v5  }
0xe4: {  	s26 =	sor.u32 s16, s25;
	[tilespmem:s3+$0x0] =	vst v11;
	v9 =	vld.idx.msk [tilespmem:v9+s2+$0x0], $0xffff;
	v11 =	vadd.s32 $0x420, v0  }
0xe5: {  	s5 =	sor.u32 s15, s25;
	v14 =	vld.idx.msk [tilespmem:v14+s2+$0x0], $0xffff;
	[tilespmem:s26+$0x0] =	vst v4  }
0xe6: {  	s6 =	sadd.s32 $0x3980, s7;
	s31 =	simm.s32 $0x60;
	[tilespmem:s5+$0x0] =	vst v12;
	v12 =	vld.idx.msk [tilespmem:v13+s2+$0x0], $0xffff  }
0xe7: {  	s18 =	sand.u32 $0x60, s31;
	s8 =	sor.u32 s0, s6;
	v16 =	vadd.s32 $0x2A0, v3;
	s5 =	simm.s32 $0xC0;
	v13 =	vld.idx.msk [tilespmem:v15+s2+$0x0], $0xffff;
	[tilespmem:s12+$0x980] =	vst v8  }
0xe8: {  	s19 =	sor.u32 $0x10, s18;
	v15 =	vadd.s32 $0x160, v7;
	s20 =	sand.u32 $0x300, s5;
	v10 =	vld.idx.msk [tilespmem:v10+s2+$0x0], $0xffff;
	[tilespmem:s8+$0x0] =	vst v2  }
0xe9: {  	v8 =	vadd.s32 $0x160, v6;
	s26 =	sor.u32 s20, s19;
	v11 =	vld.idx.msk [tilespmem:v11+s2+$0x0], $0xffff  }
0xea: {  	v18 =	vadd.s32 $0x400, v1;
	s9 =	sadd.s32 $0x3100, s17;
	s25 =	sor.u32 s18, s20;
	v4 =	vld [tilespmem:s26+$0x500]  }
0xeb: {  	v17 =	vadd.s32 $0x2C0, v5;
	s12 =	sor.u32 s16, s9;
	[tilespmem:s10+$0x980] =	vst v9;
	v2 =	vld [tilespmem:s25+$0x500]  }
0xec: {  	s3 =	sor.u32 s15, s9;
	v16 =	vld.idx.msk [tilespmem:v16+s2+$0x0], $0xffff;
	[tilespmem:s12+$0x0] =	vst v12;
	v12 =	vadd.s32 $0x440, v0  }
0xed: {  	s13 =	sadd.s32 $0xD80, s30;
	s4 =	sor.u32 s24, s22;
	[tilespmem:s3+$0x0] =	vst v13;
	v13 =	vld.idx.msk [tilespmem:v15+s2+$0x0], $0xffff  }
0xee: {  	s14 =	sor.u32 s29, s13;
	s8 =	sadd.s32 $0x3D80, s7;
	[tilespmem:s4+$0x0] =	vst v14;
	v15 =	vadd.s32 $0x180, v7;
	v9 =	vld.idx.msk [tilespmem:v8+s2+$0x0], $0xffff  }
0xef: {  	s21 =	sor.u32 s0, s8;
	[tilespmem:s14+$0x0] =	vst v10;
	v8 =	vld.idx.msk [tilespmem:v18+s2+$0x0], $0xffff  }
0xf0: {  	s22 =	sadd.s32 $0x3500, s17;
	v18 =	vadd.s32 $0x2C0, v3;
	v10 =	vld.idx.msk [tilespmem:v17+s2+$0x0], $0xffff;
	[tilespmem:s21+$0x0] =	vst v11  }
0xf1: {  	s23 =	sor.u32 s16, s22;
	v11 =	vadd.s32 $0x180, v6;
	v12 =	vld.idx.msk [tilespmem:v12+s2+$0x0], $0xffff  }
0xf2: {  	s5 =	sor.u32 s28, s13;
	v14 =	vadd.s32 $0x2E0, v5;
	v17 =	vld.idx.msk [tilespmem:v4+s2+$0x0], $0xffff;
	[tilespmem:s23+$0x0] =	vst v13  }
0xf3: {  	s3 =	sor.u32 s15, s22;
	[tilespmem:s5+$0x0] =	vst v16;
	v13 =	vadd.s32 $0x460, v0;
	v15 =	vld.idx.msk [tilespmem:v15+s2+$0x0], $0xffff  }
0xf4: {  	s31 =	sadd.s32 $0x1180, s30;
	s6 =	sor.u32 s24, s6;
	v19 =	vadd.s32 $0x20, v4;
	[tilespmem:s3+$0x0] =	vst v9;
	v9 =	vld.idx.msk [tilespmem:v2+s2+$0x0], $0xffff  }
0xf5: {  	v20 =	vadd.s32 $0x1A0, v7;
	s9 =	sor.u32 s29, s31;
	s3 =	sadd.s32 $0x4180, s7;
	v16 =	vld.idx.msk [tilespmem:v18+s2+$0x0], $0xffff;
	[tilespmem:s6+$0x0] =	vst v8  }
0xf6: {  	v11 =	vld.idx.msk [tilespmem:v11+s2+$0x0], $0xffff;
	[tilespmem:s9+$0x0] =	vst v10;
	s12 =	sor.u32 s0, s3;
	v10 =	vadd.s32 $0x20, v2  }
0xf7: {  	s13 =	sadd.s32 $0x3900, s17;
	v14 =	vld.idx.msk [tilespmem:v14+s2+$0x0], $0xffff;
	[tilespmem:s12+$0x0] =	vst v12;
	v12 =	vadd.s32 $0x1A0, v6  }
0xf8: {  	s14 =	sor.u32 s16, s13;
	v13 =	vld.idx.msk [tilespmem:v13+s2+$0x0], $0xffff;
	[tilespmem:s26+$0x900] =	vst v17;
	v17 =	vadd.s32 $0x300, v5  }
0xf9: {  	v18 =	vld.idx.msk [tilespmem:v19+s2+$0x0], $0xffff;
	[tilespmem:s14+$0x0] =	vst v15;
	v15 =	vadd.s32 $0x480, v0  }
0xfa: {  	s5 =	sor.u32 s15, s13;
	s9 =	sadd.s32 $0x1580, s30;
	v19 =	vadd.s32 $0x2E0, v3;
	[tilespmem:s25+$0x900] =	vst v9;
	v9 =	vld.idx.msk [tilespmem:v20+s2+$0x0], $0xffff  }
0xfb: {  	s21 =	sor.u32 s29, s9;
	v10 =	vld.idx.msk [tilespmem:v10+s2+$0x0], $0xffff;
	v20 =	vadd.s32 $0x40, v4;
	[tilespmem:s5+$0x0] =	vst v11;
	s5 =	sadd.s32 $0x4580, s7  }
0xfc: {  	[tilespmem:s21+$0x0] =	vst v14;
	s22 =	sor.u32 s0, s5;
	v11 =	vld.idx.msk [tilespmem:v12+s2+$0x0], $0xffff;
	v12 =	vadd.s32 $0x1C0, v7  }
0xfd: {  	s4 =	sor.u32 s28, s31;
	s23 =	sadd.s32 $0xD00, s20;
	v14 =	vadd.s32 $0x40, v2;
	v17 =	vld.idx.msk [tilespmem:v17+s2+$0x0], $0xffff;
	[tilespmem:s22+$0x0] =	vst v13  }
0xfe: {  	s13 =	sadd.s32 $0x3D00, s17;
	s31 =	sor.u32 s19, s23;
	[tilespmem:s4+$0x0] =	vst v16;
	v13 =	vadd.s32 $0x1C0, v6;
	v15 =	vld.idx.msk [tilespmem:v15+s2+$0x0], $0xffff  }
0xff: {  	s10 =	sor.u32 s16, s13;
	[tilespmem:s31+$0x0] =	vst v18;
	v16 =	vld.idx.msk [tilespmem:v19+s2+$0x0], $0xffff;
	v18 =	vadd.s32 $0x320, v5  }
0x100: {  	s12 =	sor.u32 s18, s23;
	v19 =	vld.idx.msk [tilespmem:v20+s2+$0x0], $0xffff;
	[tilespmem:s10+$0x0] =	vst v9;
	v9 =	vadd.s32 $0x4A0, v0  }
0x101: {  	s14 =	sor.u32 s15, s13;
	v20 =	vadd.s32 $0x300, v3;
	[tilespmem:s12+$0x0] =	vst v10;
	s10 =	sadd.s32 $0x1980, s30;
	v10 =	vld.idx.msk [tilespmem:v12+s2+$0x0], $0xffff  }
0x102: {  	s4 =	sadd.s32 $0x4980, s7;
	s21 =	sor.u32 s29, s10;
	v12 =	vld.idx.msk [tilespmem:v14+s2+$0x0], $0xffff;
	v14 =	vadd.s32 $0x60, v4;
	[tilespmem:s14+$0x0] =	vst v11  }
0x103: {  	s22 =	sor.u32 s0, s4;
	v11 =	vld.idx.msk [tilespmem:v13+s2+$0x0], $0xffff;
	v13 =	vadd.s32 $0x1E0, v7;
	[tilespmem:s21+$0x0] =	vst v17  }
0x104: {  	s9 =	sor.u32 s28, s9;
	s23 =	sadd.s32 $0x1100, s20;
	v17 =	vadd.s32 $0x60, v2;
	v18 =	vld.idx.msk [tilespmem:v18+s2+$0x0], $0xffff;
	[tilespmem:s22+$0x0] =	vst v15  }
0x105: {  	s31 =	sor.u32 s19, s23;
	s14 =	sadd.s32 $0x4100, s17;
	v15 =	vadd.s32 $0x1E0, v6;
	[tilespmem:s9+$0x0] =	vst v16;
	v9 =	vld.idx.msk [tilespmem:v9+s2+$0x0], $0xffff  }
0x106: {  	s12 =	sor.u32 s16, s14;
	[tilespmem:s31+$0x0] =	vst v19;
	v16 =	vld.idx.msk [tilespmem:v20+s2+$0x0], $0xffff;
	v19 =	vadd.s32 $0x340, v5  }
0x107: {  	s13 =	sor.u32 s18, s23;
	v14 =	vld.idx.msk [tilespmem:v14+s2+$0x0], $0xffff;
	[tilespmem:s12+$0x0] =	vst v10;
	v10 =	vadd.s32 $0x4C0, v0  }
0x108: {  	s21 =	sor.u32 s15, s14;
	v20 =	vadd.s32 $0x320, v3;
	[tilespmem:s13+$0x0] =	vst v12;
	s13 =	sadd.s32 $0x1D80, s30;
	v12 =	vld.idx.msk [tilespmem:v13+s2+$0x0], $0xffff  }
0x109: {  	s31 =	sadd.s32 $0x4D80, s7;
	v13 =	vld.idx.msk [tilespmem:v17+s2+$0x0], $0xffff;
	v17 =	vadd.s32 $0x80, v4;
	[tilespmem:s21+$0x0] =	vst v11;
	s22 =	sor.u32 s29, s13  }
0x10a: {  	s23 =	sor.u32 s0, s31;
	v11 =	vld.idx.msk [tilespmem:v15+s2+$0x0], $0xffff;
	v15 =	vadd.s32 $0x200, v7;
	[tilespmem:s22+$0x0] =	vst v18  }
0x10b: {  	s10 =	sor.u32 s28, s10;
	s12 =	sadd.s32 $0x1500, s20;
	v18 =	vadd.s32 $0x80, v2;
	v19 =	vld.idx.msk [tilespmem:v19+s2+$0x0], $0xffff;
	[tilespmem:s23+$0x0] =	vst v9  }
0x10c: {  	v21 =	vadd.s32 $0x200, v6;
	s21 =	sor.u32 s19, s12;
	s22 =	sadd.s32 $0x4500, s17;
	[tilespmem:s10+$0x0] =	vst v16;
	v9 =	vld.idx.msk [tilespmem:v10+s2+$0x0], $0xffff  }
0x10d: {  	s23 =	sor.u32 s16, s22;
	[tilespmem:s21+$0x0] =	vst v14;
	v10 =	vld.idx.msk [tilespmem:v20+s2+$0x0], $0xffff;
	v14 =	vadd.s32 $0x360, v5  }
0x10e: {  	s14 =	sor.u32 s18, s12;
	v16 =	vadd.s32 $0x340, v3;
	v17 =	vld.idx.msk [tilespmem:v17+s2+$0x0], $0xffff;
	[tilespmem:s23+$0x0] =	vst v12  }
0x10f: {  	s12 =	sor.u32 s15, s22;
	s10 =	sadd.s32 $0x2180, s30;
	[tilespmem:s14+$0x0] =	vst v13;
	v13 =	vadd.s32 $0xA0, v4;
	v12 =	vld.idx.msk [tilespmem:v15+s2+$0x0], $0xffff  }
0x110: {  	s14 =	sor.u32 s29, s10;
	v15 =	vld.idx.msk [tilespmem:v18+s2+$0x0], $0xffff;
	[tilespmem:s12+$0x0] =	vst v11;
	v11 =	vadd.s32 $0x220, v7  }
0x111: {  	s13 =	sor.u32 s28, s13;
	s21 =	sadd.s32 $0x1900, s20;
	v18 =	vadd.s32 $0xA0, v2;
	v20 =	vld.idx.msk [tilespmem:v21+s2+$0x0], $0xffff;
	[tilespmem:s14+$0x0] =	vst v19  }
0x112: {  	s22 =	sor.u32 s19, s21;
	s23 =	sadd.s32 $0x4900, s17;
	v19 =	vadd.s32 $0x220, v6;
	v14 =	vld.idx.msk [tilespmem:v14+s2+$0x0], $0xffff;
	[tilespmem:s13+$0x0] =	vst v10  }
0x113: {  	s12 =	sor.u32 s16, s23;
	v10 =	vadd.s32 $0x420, v1;
	[tilespmem:s22+$0x0] =	vst v17;
	v16 =	vld.idx.msk [tilespmem:v16+s2+$0x0], $0xffff  }
0x114: {  	s9 =	sor.u32 s18, s21;
	v13 =	vld.idx.msk [tilespmem:v13+s2+$0x0], $0xffff;
	[tilespmem:s12+$0x0] =	vst v12;
	v12 =	vadd.s32 $0x380, v5  }
0x115: {  	s13 =	sor.u32 s15, s23;
	v17 =	vadd.s32 $0x360, v3;
	[tilespmem:s9+$0x0] =	vst v15;
	s9 =	sadd.s32 $0x2580, s30;
	v11 =	vld.idx.msk [tilespmem:v11+s2+$0x0], $0xffff  }
0x116: {  	v15 =	vld.idx.msk [tilespmem:v18+s2+$0x0], $0xffff;
	v18 =	vadd.s32 $0xC0, v4;
	[tilespmem:s13+$0x0] =	vst v20;
	s21 =	sor.u32 s29, s9  }
0x117: {  	s10 =	sor.u32 s28, s10;
	s22 =	sadd.s32 $0x1D00, s20;
	v8 =	vld.idx.msk [tilespmem:v19+s2+$0x0], $0xffff;
	v19 =	vadd.s32 $0x240, v7;
	[tilespmem:s21+$0x0] =	vst v14  }
0x118: {  	s23 =	sor.u32 s19, s22;
	s12 =	sadd.s32 $0x4D00, s17;
	v20 =	vadd.s32 $0xC0, v2;
	v10 =	vld.idx.msk [tilespmem:v10+s2+$0x0], $0xffff;
	[tilespmem:s10+$0x0] =	vst v16  }
0x119: {  	v14 =	vadd.s32 $0x240, v6;
	s21 =	sor.u32 s16, s12;
	v12 =	vld.idx.msk [tilespmem:v12+s2+$0x0], $0xffff;
	[tilespmem:s23+$0x0] =	vst v13  }
0x11a: {  	s6 =	sor.u32 s18, s22;
	v16 =	vadd.s32 $0x440, v1;
	v13 =	vld.idx.msk [tilespmem:v17+s2+$0x0], $0xffff;
	[tilespmem:s21+$0x0] =	vst v11  }
0x11b: {  	s22 =	sor.u32 s15, s12;
	v17 =	vld.idx.msk [tilespmem:v18+s2+$0x0], $0xffff;
	v11 =	vadd.s32 $0x3A0, v5;
	[tilespmem:s6+$0x0] =	vst v15  }
0x11c: {  	s23 =	sor.u32 s24, s8;
	s8 =	sadd.s32 $0x2980, s30;
	v18 =	vadd.s32 $0x380, v3;
	v15 =	vld.idx.msk [tilespmem:v19+s2+$0x0], $0xffff;
	[tilespmem:s22+$0x0] =	vst v8  }
0x11d: {  	s12 =	sor.u32 s29, s8;
	v19 =	vld.idx.msk [tilespmem:v20+s2+$0x0], $0xffff;
	v20 =	vadd.s32 $0xE0, v4;
	[tilespmem:s23+$0x0] =	vst v10  }
0x11e: {  	s14 =	sadd.s32 $0x2100, s20;
	s13 =	sor.u32 s28, s9;
	v7 =	vadd.s32 $0x260, v7;
	v8 =	vld.idx.msk [tilespmem:v14+s2+$0x0], $0xffff;
	[tilespmem:s12+$0x0] =	vst v12  }
0x11f: {  	s21 =	sor.u32 s19, s14;
	s22 =	sadd.s32 $0x5100, s17;
	v10 =	vadd.s32 $0xE0, v2;
	v12 =	vld.idx.msk [tilespmem:v16+s2+$0x0], $0xffff;
	[tilespmem:s13+$0x0] =	vst v13  }
0x120: {  	v6 =	vadd.s32 $0x260, v6;
	s23 =	sor.u32 s16, s22;
	v11 =	vld.idx.msk [tilespmem:v11+s2+$0x0], $0xffff;
	[tilespmem:s21+$0x0] =	vst v17  }
0x121: {  	s9 =	sor.u32 s18, s14;
	v13 =	vadd.s32 $0x460, v1;
	v14 =	vld.idx.msk [tilespmem:v18+s2+$0x0], $0xffff;
	[tilespmem:s23+$0x0] =	vst v15  }
0x122: {  	s10 =	sor.u32 s15, s22;
	v16 =	vld.idx.msk [tilespmem:v20+s2+$0x0], $0xffff;
	v15 =	vadd.s32 $0x3C0, v5;
	[tilespmem:s9+$0x0] =	vst v19  }
0x123: {  	s3 =	sor.u32 s24, s3;
	s6 =	sadd.s32 $0x2D80, s30;
	v17 =	vadd.s32 $0x3A0, v3;
	v7 =	vld.idx.msk [tilespmem:v7+s2+$0x0], $0xffff;
	[tilespmem:s10+$0x0] =	vst v8  }
0x124: {  	s12 =	sor.u32 s29, s6;
	v10 =	vld.idx.msk [tilespmem:v10+s2+$0x0], $0xffff;
	[tilespmem:s3+$0x0] =	vst v12  }
0x125: {  	s13 =	sor.u32 s28, s8;
	s21 =	sadd.s32 $0x2500, s20;
	v8 =	vadd.s32 $0x100, v4;
	v6 =	vld.idx.msk [tilespmem:v6+s2+$0x0], $0xffff;
	[tilespmem:s12+$0x0] =	vst v11  }
0x126: {  	s14 =	sadd.s32 $0x5500, s17;
	s23 =	sor.u32 s19, s21;
	v12 =	vld.idx.msk [tilespmem:v13+s2+$0x0], $0xffff;
	[tilespmem:s13+$0x0] =	vst v14  }
0x127: {  	s22 =	sor.u32 s16, s14;
	v13 =	vadd.s32 $0x100, v2;
	v14 =	vld.idx.msk [tilespmem:v15+s2+$0x0], $0xffff;
	[tilespmem:s23+$0x0] =	vst v16  }
0x128: {  	s12 =	sadd.s32 $0x5180, s7;
	v15 =	vadd.s32 $0x4E0, v0;
	v17 =	vld.idx.msk [tilespmem:v17+s2+$0x0], $0xffff;
	[tilespmem:s22+$0x0] =	vst v7  }
0x129: {  	s8 =	sor.u32 s15, s14;
	v7 =	vadd.s32 $0x3E0, v5;
	v0 =	vld [tilespmem:s1+$0x580];
	[dreg:$0xc] =	wrdreg s12  }
0x12a: {  	s9 =	sor.u32 s18, s21;
	v16 =	vadd.s32 $0x480, v1;
	v8 =	vld.idx.msk [tilespmem:v8+s2+$0x0], $0xffff;
	[tilespmem:s8+$0x0] =	vst v6  }
0x12b: {  	s14 =	sadd.s32 $0x3180, s30;
	s13 =	sor.u32 s0, s12;
	v6 =	vadd.s32 $0x3C0, v3;
	[tilespmem:s9+$0x0] =	vst v10;
	v11 =	vld [tilespmem:s11+$0x580]  }
0x12c: {  	s21 =	sor.u32 s29, s14;
	[tilespmem:s13+$0x0] =	vst v9;
	v10 =	vadd.s32 $0x120, v4;
	v9 =	vld.idx.msk [tilespmem:v13+s2+$0x0], $0xffff  }
0x12d: {  	s5 =	sor.u32 s24, s5;
	v13 =	vadd.s32 $0x120, v2;
	v15 =	vld.idx.msk [tilespmem:v15+s2+$0x0], $0xffff;
	[tilespmem:s21+$0x0] =	vst v14  }
0x12e: {  	s6 =	sor.u32 s28, s6;
	s22 =	sadd.s32 $0x2900, s20;
	[tilespmem:s5+$0x0] =	vst v12;
	v7 =	vld.idx.msk [tilespmem:v7+s2+$0x0], $0xffff;
	v12 =	vadd.s32 $0x280, v0  }
0x12f: {  	s23 =	sor.u32 s19, s22;
	v14 =	vld.idx.msk [tilespmem:v16+s2+$0x0], $0xffff;
	[tilespmem:s6+$0x0] =	vst v17;
	v16 =	vadd.s32 $0x400, v5  }
0x130: {  	s5 =	sor.u32 s18, s22;
	v6 =	vld.idx.msk [tilespmem:v6+s2+$0x0], $0xffff;
	[tilespmem:s23+$0x0] =	vst v8;
	v8 =	vadd.s32 $0x280, v11  }
0x131: {  	v17 =	vadd.s32 $0x3E0, v3;
	[tilespmem:s5+$0x0] =	vst v9;
	v9 =	vld.idx.msk [tilespmem:v10+s2+$0x0], $0xffff;
	s5 =	sadd.s32 $0x3580, s30  }
0x132: {  	v10 =	vld.idx.msk [tilespmem:v13+s2+$0x0], $0xffff;
	v13 =	vadd.s32 $0x140, v4;
	s3 =	sor.u32 s29, s5  }
0x133: {  	v18 =	vadd.s32 $0x140, v2;
	[tilespmem:s3+$0x0] =	vst v7;
	v12 =	vld.idx.msk [tilespmem:v12+s2+$0x0], $0xffff  }
0x134: {  	s8 =	sor.u32 s28, s14;
	s9 =	sadd.s32 $0x2D00, s20;
	v7 =	vadd.s32 $0x4A0, v1;
	v16 =	vld.idx.msk [tilespmem:v16+s2+$0x0], $0xffff  }
0x135: {  	s10 =	sor.u32 s19, s9;
	[tilespmem:s8+$0x0] =	vst v6;
	v6 =	vld.idx.msk [tilespmem:v8+s2+$0x0], $0xffff;
	v8 =	vadd.s32 $0x2A0, v0  }
0x136: {  	s8 =	sor.u32 s18, s9;
	[tilespmem:s10+$0x0] =	vst v9;
	v19 =	vld.idx.msk [tilespmem:v17+s2+$0x0], $0xffff;
	v9 =	vadd.s32 $0x420, v5  }
0x137: {  	s4 =	sor.u32 s24, s4;
	[tilespmem:s8+$0x0] =	vst v10;
	v10 =	vld.idx.msk [tilespmem:v13+s2+$0x0], $0xffff  }
0x138: {  	s12 =	simm.s32 $0x80;
	[tilespmem:s4+$0x0] =	vst v14;
	s8 =	sadd.s32 $0x3980, s30;
	v14 =	vld.idx.msk [tilespmem:v18+s2+$0x0], $0xffff  }
0x139: {  	s21 =	sand.u32 $0x60, s12;
	s10 =	simm.s32 $0x100;
	v18 =	vadd.s32 $0x160, v4;
	s13 =	sor.u32 s29, s8;
	v13 =	vld.idx.msk [tilespmem:v7+s2+$0x0], $0xffff;
	[tilespmem:s1+$0x980] =	vst v12  }
0x13a: {  	v21 =	vadd.s32 $0x400, v3;
	s22 =	sor.u32 $0x10, s21;
	s23 =	sand.u32 $0x300, s10;
	[tilespmem:s13+$0x0] =	vst v16;
	v8 =	vld.idx.msk [tilespmem:v8+s2+$0x0], $0xffff  }
0x13b: {  	s14 =	sadd.s32 $0x3100, s20;
	s5 =	sor.u32 s28, s5;
	v7 =	vadd.s32 $0x160, v2;
	s1 =	sor.u32 s23, s22;
	v16 =	vld.idx.msk [tilespmem:v9+s2+$0x0], $0xffff  }
0x13c: {  	s9 =	sor.u32 s19, s14;
	s3 =	sor.u32 s21, s23;
	v12 =	vadd.s32 $0x2A0, v11;
	v9 =	vld [tilespmem:s1+$0x500];
	[tilespmem:s5+$0x0] =	vst v19  }
0x13d: {  	v20 =	vadd.s32 $0x2C0, v0;
	s4 =	sor.u32 s18, s14;
	v17 =	vld [tilespmem:s3+$0x500];
	[tilespmem:s9+$0x0] =	vst v10  }
0x13e: {  	v10 =	vadd.s32 $0x440, v5;
	[tilespmem:s4+$0x0] =	vst v14;
	v14 =	vld.idx.msk [tilespmem:v18+s2+$0x0], $0xffff;
	s4 =	sadd.s32 $0xD80, s17  }
0x13f: {  	[tilespmem:s11+$0x980] =	vst v6;
	v6 =	vld.idx.msk [tilespmem:v21+s2+$0x0], $0xffff;
	s12 =	sor.u32 s16, s4  }
0x140: {  	s9 =	sadd.s32 $0x3D80, s30;
	v7 =	vld.idx.msk [tilespmem:v7+s2+$0x0], $0xffff;
	[tilespmem:s12+$0x0] =	vst v8;
	v8 =	vadd.s32 $0x180, v4  }
0x141: {  	s14 =	sadd.s32 $0x3500, s20;
	s13 =	sor.u32 s29, s9;
	v12 =	vld.idx.msk [tilespmem:v12+s2+$0x0], $0xffff  }
0x142: {  	s11 =	sor.u32 s19, s14;
	v18 =	vadd.s32 $0x180, v2;
	[tilespmem:s13+$0x0] =	vst v16;
	s12 =	sadd.s32 $0x5580, s7;
	v16 =	vld.idx.msk [tilespmem:v20+s2+$0x0], $0xffff  }
0x143: {  	v19 =	vadd.s32 $0x2E0, v0;
	v10 =	vld.idx.msk [tilespmem:v10+s2+$0x0], $0xffff;
	s0 =	sor.u32 s0, s12;
	[tilespmem:s11+$0x0] =	vst v14  }
0x144: {  	s13 =	sor.u32 s18, s14;
	v20 =	vadd.s32 $0x460, v5;
	[tilespmem:s0+$0x0] =	vst v15;
	v14 =	vld.idx.msk [tilespmem:v9+s2+$0x0], $0xffff  }
0x145: {  	s7 =	sor.u32 s15, s4;
	v15 =	vadd.s32 $0x2C0, v11;
	s11 =	sadd.s32 $0x1180, s17;
	[tilespmem:s13+$0x0] =	vst v7;
	v8 =	vld.idx.msk [tilespmem:v8+s2+$0x0], $0xffff  }
0x146: {  	s6 =	sadd.s32 $0x4180, s30;
	v21 =	vadd.s32 $0x20, v9;
	v7 =	vld.idx.msk [tilespmem:v17+s2+$0x0], $0xffff;
	s14 =	sor.u32 s16, s11;
	[tilespmem:s7+$0x0] =	vst v12  }
0x147: {  	s5 =	sor.u32 s29, s6;
	[tilespmem:s14+$0x0] =	vst v16;
	v16 =	vld.idx.msk [tilespmem:v18+s2+$0x0], $0xffff  }
0x148: {  	s13 =	sadd.s32 $0x3900, s20;
	v18 =	vadd.s32 $0x1A0, v4;
	[tilespmem:s5+$0x0] =	vst v10;
	v19 =	vld.idx.msk [tilespmem:v19+s2+$0x0], $0xffff  }
0x149: {  	v10 =	vadd.s32 $0x20, v17;
	s14 =	sor.u32 s19, s13;
	v12 =	vld.idx.msk [tilespmem:v20+s2+$0x0], $0xffff;
	[tilespmem:s1+$0x900] =	vst v14  }
0x14a: {  	v22 =	vadd.s32 $0x1A0, v2;
	v14 =	vld.idx.msk [tilespmem:v15+s2+$0x0], $0xffff;
	[tilespmem:s14+$0x0] =	vst v8  }
0x14b: {  	v20 =	vadd.s32 $0x480, v5;
	v8 =	vld.idx.msk [tilespmem:v21+s2+$0x0], $0xffff;
	[dreg:$0x4] =	wrdreg s3  }
0x14c: {  	s0 =	sor.u32 s18, s13;
	s5 =	sadd.s32 $0x4580, s30;
	v15 =	vadd.s32 $0x300, v0;
	[tilespmem:s3+$0x900] =	vst v7  }
0x14d: {  	s4 =	sadd.s32 $0x1580, s17;
	s7 =	sor.u32 s29, s5;
	v21 =	vadd.s32 $0x2E0, v11;
	v7 =	vld.idx.msk [tilespmem:v18+s2+$0x0], $0xffff;
	[tilespmem:s0+$0x0] =	vst v16  }
0x14e: {  	v16 =	vadd.s32 $0x40, v9;
	s3 =	sor.u32 s16, s4;
	[tilespmem:s7+$0x0] =	vst v12;
	v10 =	vld.idx.msk [tilespmem:v10+s2+$0x0], $0xffff  }
0x14f: {  	[tilespmem:s3+$0x0] =	vst v19;
	v18 =	vld.idx.msk [tilespmem:v22+s2+$0x0], $0xffff;
	v19 =	vadd.s32 $0x1C0, v4  }
0x150: {  	s11 =	sor.u32 s15, s11;
	s13 =	sadd.s32 $0xD00, s23;
	v12 =	vadd.s32 $0x40, v17;
	v20 =	vld.idx.msk [tilespmem:v20+s2+$0x0], $0xffff  }
0x151: {  	s14 =	sor.u32 s22, s13;
	[tilespmem:s11+$0x0] =	vst v14;
	v14 =	vadd.s32 $0x1C0, v2;
	s3 =	sadd.s32 $0x3D00, s20;
	v15 =	vld.idx.msk [tilespmem:v15+s2+$0x0], $0xffff  }
0x152: {  	s7 =	sor.u32 s19, s3;
	[tilespmem:s14+$0x0] =	vst v8;
	v8 =	vld.idx.msk [tilespmem:v21+s2+$0x0], $0xffff;
	v21 =	vadd.s32 $0x320, v0  }
0x153: {  	s11 =	sor.u32 s21, s13;
	[tilespmem:s7+$0x0] =	vst v7;
	v7 =	vld.idx.msk [tilespmem:v16+s2+$0x0], $0xffff;
	v16 =	vadd.s32 $0x4A0, v5  }
0x154: {  	s14 =	sor.u32 s18, s3;
	[tilespmem:s11+$0x0] =	vst v10;
	v10 =	vadd.s32 $0x300, v11;
	v19 =	vld.idx.msk [tilespmem:v19+s2+$0x0], $0xffff;
	s11 =	sadd.s32 $0x1980, s17  }
0x155: {  	s7 =	sadd.s32 $0x4980, s30;
	[tilespmem:s14+$0x0] =	vst v18;
	v18 =	vadd.s32 $0x60, v9;
	v12 =	vld.idx.msk [tilespmem:v12+s2+$0x0], $0xffff;
	s0 =	sor.u32 s16, s11  }
0x156: {  	s3 =	sor.u32 s29, s7;
	v14 =	vld.idx.msk [tilespmem:v14+s2+$0x0], $0xffff;
	[tilespmem:s0+$0x0] =	vst v15;
	v15 =	vadd.s32 $0x1E0, v4  }
0x157: {  	s4 =	sor.u32 s15, s4;
	s13 =	sadd.s32 $0x1100, s23;
	[tilespmem:s3+$0x0] =	vst v20;
	v20 =	vadd.s32 $0x60, v17;
	v21 =	vld.idx.msk [tilespmem:v21+s2+$0x0], $0xffff  }
0x158: {  	s14 =	sor.u32 s22, s13;
	[tilespmem:s4+$0x0] =	vst v8;
	v8 =	vadd.s32 $0x1E0, v2;
	s0 =	sadd.s32 $0x4100, s20;
	v16 =	vld.idx.msk [tilespmem:v16+s2+$0x0], $0xffff  }
0x159: {  	s3 =	sor.u32 s19, s0;
	[tilespmem:s14+$0x0] =	vst v7;
	v7 =	vld.idx.msk [tilespmem:v10+s2+$0x0], $0xffff;
	v10 =	vadd.s32 $0x340, v0  }
0x15a: {  	s13 =	sor.u32 s21, s13;
	[tilespmem:s3+$0x0] =	vst v19;
	v18 =	vld.idx.msk [tilespmem:v18+s2+$0x0], $0xffff;
	v19 =	vadd.s32 $0x4C0, v5  }
0x15b: {  	s0 =	sor.u32 s18, s0;
	s14 =	sadd.s32 $0x1D80, s17;
	[tilespmem:s13+$0x0] =	vst v12;
	v12 =	vadd.s32 $0x320, v11;
	v15 =	vld.idx.msk [tilespmem:v15+s2+$0x0], $0xffff  }
0x15c: {  	s4 =	sadd.s32 $0x4D80, s30;
	s3 =	sor.u32 s16, s14;
	[tilespmem:s0+$0x0] =	vst v14;
	v14 =	vld.idx.msk [tilespmem:v20+s2+$0x0], $0xffff;
	v20 =	vadd.s32 $0x80, v9  }
0x15d: {  	s0 =	sor.u32 s29, s4;
	v8 =	vld.idx.msk [tilespmem:v8+s2+$0x0], $0xffff;
	[tilespmem:s3+$0x0] =	vst v21;
	v21 =	vadd.s32 $0x200, v4  }
0x15e: {  	s11 =	sor.u32 s15, s11;
	s13 =	sadd.s32 $0x1500, s23;
	[tilespmem:s0+$0x0] =	vst v16;
	v16 =	vadd.s32 $0x80, v17;
	v10 =	vld.idx.msk [tilespmem:v10+s2+$0x0], $0xffff  }
0x15f: {  	s3 =	sor.u32 s22, s13;
	s0 =	sadd.s32 $0x4500, s20;
	[tilespmem:s11+$0x0] =	vst v7;
	v7 =	vadd.s32 $0x200, v2;
	v19 =	vld.idx.msk [tilespmem:v19+s2+$0x0], $0xffff  }
0x160: {  	[tilespmem:s3+$0x0] =	vst v18;
	v18 =	vadd.s32 $0x360, v0;
	s3 =	sor.u32 s19, s0;
	v12 =	vld.idx.msk [tilespmem:v12+s2+$0x0], $0xffff  }
0x161: {  	v5 =	vadd.s32 $0x4E0, v5;
	s13 =	sor.u32 s21, s13;
	[tilespmem:s3+$0x0] =	vst v15;
	v15 =	vld.idx.msk [tilespmem:v20+s2+$0x0], $0xffff  }
0x162: {  	s0 =	sor.u32 s18, s0;
	s11 =	sadd.s32 $0x2180, s17;
	[tilespmem:s13+$0x0] =	vst v14;
	v14 =	vadd.s32 $0x340, v11;
	v20 =	vld.idx.msk [tilespmem:v21+s2+$0x0], $0xffff  }
0x163: {  	[tilespmem:s0+$0x0] =	vst v8;
	s3 =	sor.u32 s16, s11;
	s13 =	sadd.s32 $0x5180, s30;
	v8 =	vld.idx.msk [tilespmem:v16+s2+$0x0], $0xffff;
	v16 =	vadd.s32 $0xA0, v9  }
0x164: {  	[tilespmem:s3+$0x0] =	vst v10;
	v7 =	vld.idx.msk [tilespmem:v7+s2+$0x0], $0xffff;
	v10 =	vadd.s32 $0x220, v4;
	s3 =	sor.u32 s29, s13  }
0x165: {  	[tilespmem:s3+$0x0] =	vst v19;
	v19 =	vadd.s32 $0xA0, v17;
	s3 =	sor.u32 s15, s14;
	v21 =	vld.idx.msk [tilespmem:v18+s2+$0x0], $0xffff;
	s14 =	sadd.s32 $0x1900, s23  }
0x166: {  	s0 =	sadd.s32 $0x4900, s20;
	[tilespmem:s3+$0x0] =	vst v12;
	v12 =	vadd.s32 $0x220, v2;
	v18 =	vld.idx.msk [tilespmem:v5+s2+$0x0], $0xffff;
	s3 =	sor.u32 s22, s14  }
0x167: {  	v5 =	vadd.s32 $0x420, v3;
	[tilespmem:s3+$0x0] =	vst v15;
	v14 =	vld.idx.msk [tilespmem:v14+s2+$0x0], $0xffff;
	s3 =	sor.u32 s19, s0  }
0x168: {  	s14 =	sor.u32 s21, s14;
	[tilespmem:s3+$0x0] =	vst v20;
	v15 =	vld.idx.msk [tilespmem:v16+s2+$0x0], $0xffff;
	v16 =	vadd.s32 $0x380, v0  }
0x169: {  	s0 =	sor.u32 s18, s0;
	[tilespmem:s14+$0x0] =	vst v8;
	v8 =	vadd.s32 $0x360, v11;
	v10 =	vld.idx.msk [tilespmem:v10+s2+$0x0], $0xffff  }
0x16a: {  	s14 =	sor.u32 s28, s8;
	s3 =	sadd.s32 $0x2580, s17;
	[tilespmem:s0+$0x0] =	vst v7;
	v7 =	vld.idx.msk [tilespmem:v19+s2+$0x0], $0xffff;
	v19 =	vadd.s32 $0xC0, v9  }
0x16b: {  	[tilespmem:s14+$0x0] =	vst v6;
	s8 =	sor.u32 s16, s3;
	v6 =	vld.idx.msk [tilespmem:v12+s2+$0x0], $0xffff;
	v12 =	vadd.s32 $0x240, v4  }
0x16c: {  	s11 =	sor.u32 s15, s11;
	v20 =	vadd.s32 $0xC0, v17;
	[tilespmem:s8+$0x0] =	vst v21;
	s8 =	sadd.s32 $0x1D00, s23;
	v5 =	vld.idx.msk [tilespmem:v5+s2+$0x0], $0xffff  }
0x16d: {  	s14 =	sor.u32 s22, s8;
	[tilespmem:s11+$0x0] =	vst v14;
	v14 =	vadd.s32 $0x240, v2;
	s11 =	sadd.s32 $0x4D00, s20;
	v16 =	vld.idx.msk [tilespmem:v16+s2+$0x0], $0xffff  }
0x16e: {  	[tilespmem:s14+$0x0] =	vst v15;
	v15 =	vadd.s32 $0x440, v3;
	v8 =	vld.idx.msk [tilespmem:v8+s2+$0x0], $0xffff;
	s14 =	sor.u32 s19, s11  }
0x16f: {  	[tilespmem:s14+$0x0] =	vst v10;
	s14 =	sor.u32 s21, s8;
	v10 =	vld.idx.msk [tilespmem:v19+s2+$0x0], $0xffff;
	v19 =	vadd.s32 $0x3A0, v0  }
0x170: {  	s8 =	sor.u32 s18, s11;
	[tilespmem:s14+$0x0] =	vst v7;
	v7 =	vadd.s32 $0x380, v11;
	v12 =	vld.idx.msk [tilespmem:v12+s2+$0x0], $0xffff  }
0x171: {  	s9 =	sor.u32 s28, s9;
	[tilespmem:s8+$0x0] =	vst v6;
	v6 =	vld.idx.msk [tilespmem:v20+s2+$0x0], $0xffff;
	v20 =	vadd.s32 $0xE0, v9;
	s8 =	sadd.s32 $0x2980, s17  }
0x172: {  	v4 =	vadd.s32 $0x260, v4;
	[tilespmem:s9+$0x0] =	vst v5;
	v5 =	vld.idx.msk [tilespmem:v14+s2+$0x0], $0xffff;
	s11 =	sor.u32 s16, s8  }
0x173: {  	s14 =	sor.u32 s15, s3;
	s3 =	sadd.s32 $0x2100, s23;
	v14 =	vadd.s32 $0xE0, v17;
	[tilespmem:s11+$0x0] =	vst v16;
	v15 =	vld.idx.msk [tilespmem:v15+s2+$0x0], $0xffff  }
0x174: {  	v2 =	vadd.s32 $0x260, v2;
	s9 =	sor.u32 s22, s3;
	[tilespmem:s14+$0x0] =	vst v8;
	s11 =	sadd.s32 $0x5100, s20;
	v8 =	vld.idx.msk [tilespmem:v19+s2+$0x0], $0xffff  }
0x175: {  	s14 =	sor.u32 s19, s11;
	[tilespmem:s9+$0x0] =	vst v10;
	v10 =	vadd.s32 $0x460, v3;
	v7 =	vld.idx.msk [tilespmem:v7+s2+$0x0], $0xffff  }
0x176: {  	s3 =	sor.u32 s21, s3;
	v16 =	vadd.s32 $0x3C0, v0;
	[tilespmem:s14+$0x0] =	vst v12;
	v12 =	vld.idx.msk [tilespmem:v20+s2+$0x0], $0xffff  }
0x177: {  	s11 =	sor.u32 s18, s11;
	[tilespmem:s3+$0x0] =	vst v6;
	v6 =	vadd.s32 $0x3A0, v11;
	v4 =	vld.idx.msk [tilespmem:v4+s2+$0x0], $0xffff  }
0x178: {  	s14 =	sor.u32 s28, s6;
	s3 =	sadd.s32 $0x2D80, s17;
	v20 =	vadd.s32 $0x100, v9;
	[tilespmem:s11+$0x0] =	vst v5;
	v19 =	vld.idx.msk [tilespmem:v14+s2+$0x0], $0xffff  }
0x179: {  	s6 =	sor.u32 s16, s3;
	[tilespmem:s14+$0x0] =	vst v15;
	v14 =	vld.idx.msk [tilespmem:v2+s2+$0x0], $0xffff  }
0x17a: {  	v24 =	vadd.s32 $0x100, v17;
	s8 =	sor.u32 s15, s8;
	s9 =	sadd.s32 $0x2500, s23;
	[tilespmem:s6+$0x0] =	vst v8;
	v22 =	vld.idx.msk [tilespmem:v10+s2+$0x0], $0xffff  }
0x17b: {  	v23 =	vadd.s32 $0x480, v3;
	s14 =	sor.u32 s22, s9;
	s6 =	sadd.s32 $0x5500, s20;
	[tilespmem:s8+$0x0] =	vst v7;
	v25 =	vld.idx.msk [tilespmem:v16+s2+$0x0], $0xffff  }
0x17c: {  	v28 =	vadd.s32 $0x3E0, v0;
	v27 =	vadd.s32 $0x3C0, v11;
	v21 =	vadd.s32 $0x4C0, v1;
	s11 =	sor.u32 s19, s6;
	v26 =	vld.idx.msk [tilespmem:v6+s2+$0x0], $0xffff;
	[tilespmem:s14+$0x0] =	vst v12  }
0x17d: {  	v37 =	vadd.s32 $0x3E0, v11;
	v61 =	vadd.s32 $0x420, v11;
	v60 =	vadd.s32 $0x440, v11;
	s0 =	sor.u32 s21, s9;
	[tilespmem:s11+$0x0] =	vst v4;
	v20 =	vld.idx.msk [tilespmem:v20+s2+$0x0], $0xffff  }
0x17e: {  	v59 =	vadd.s32 $0x460, v11;
	v58 =	vadd.s32 $0x480, v11;
	v56 =	vadd.s32 $0x4C0, v11;
	s6 =	sor.u32 s18, s6;
	[tilespmem:s0+$0x0] =	vst v19;
	v16 =	vld [tilespmem:s26+$0x580]  }
0x17f: {  	v55 =	vadd.s32 $0x4E0, v11;
	v5 =	vadd.s32 $0x400, v11;
	v6 =	vadd.s32 $0x4A0, v11;
	s14 =	sor.u32 s24, s31;
	[tilespmem:s6+$0x0] =	vst v14;
	v11 =	vld.idx.msk [tilespmem:v24+s2+$0x0], $0xffff  }
0x180: {  	v54 =	vadd.s32 $0x4E0, v1;
	s8 =	sor.u32 s28, s5;
	s5 =	sadd.s32 $0x3180, s17;
	v19 =	vadd.s32 $0x120, v9;
	[tilespmem:s14+$0x0] =	vst v13;
	v40 =	vld [tilespmem:s25+$0x580]  }
0x181: {  	v57 =	vadd.s32 $0x4C0, v3;
	v53 =	vadd.s32 $0x4E0, v3;
	s9 =	sor.u32 s16, s5;
	v45 =	vld.idx.msk [tilespmem:v21+s2+$0x0], $0xffff;
	[tilespmem:s8+$0x0] =	vst v22;
	v22 =	vadd.s32 $0x120, v17  }
0x182: {  	v39 =	vadd.s32 $0x400, v0;
	v51 =	vadd.s32 $0x140, v17;
	v35 =	vadd.s32 $0x160, v17;
	s31 =	sadd.s32 $0x2900, s23;
	s11 =	sor.u32 s15, s3;
	[tilespmem:s9+$0x0] =	vst v25;
	v23 =	vld.idx.msk [tilespmem:v23+s2+$0x0], $0xffff  }
0x183: {  	v33 =	vadd.s32 $0x180, v17;
	v32 =	vadd.s32 $0x1A0, v17;
	s6 =	sor.u32 s22, s31;
	[tilespmem:s11+$0x0] =	vst v26;
	v24 =	vld.idx.msk [tilespmem:v28+s2+$0x0], $0xffff;
	v29 =	vadd.s32 $0x280, v16  }
0x184: {  	v31 =	vadd.s32 $0x1C0, v17;
	v30 =	vadd.s32 $0x1E0, v17;
	v52 =	vadd.s32 $0x140, v9;
	s3 =	sadd.s32 $0x5580, s30;
	s0 =	sor.u32 s21, s31;
	v13 =	vld.idx.msk [tilespmem:v27+s2+$0x0], $0xffff;
	[tilespmem:s6+$0x0] =	vst v20  }
0x185: {  	v7 =	vadd.s32 $0x4A0, v3;
	s8 =	sor.u32 s29, s3;
	v26 =	vadd.s32 $0x240, v17;
	[tilespmem:s0+$0x0] =	vst v11;
	v11 =	vld.idx.msk [tilespmem:v19+s2+$0x0], $0xffff;
	v21 =	vadd.s32 $0x280, v40  }
0x186: {  	s14 =	sor.u32 s28, s7;
	v25 =	vadd.s32 $0x260, v17;
	s9 =	sadd.s32 $0x3580, s17;
	[tilespmem:s8+$0x0] =	vst v18;
	v28 =	vadd.s32 $0x200, v17;
	v27 =	vadd.s32 $0x220, v17;
	v50 =	vld.idx.msk [tilespmem:v22+s2+$0x0], $0xffff  }
0x187: {  	s11 =	sor.u32 s16, s9;
	v49 =	vadd.s32 $0x2A0, v16;
	v46 =	vadd.s32 $0x2A0, v40;
	v42 =	vadd.s32 $0x2C0, v40;
	[tilespmem:s14+$0x0] =	vst v23  }
0x188: {  	s5 =	sor.u32 s15, s5;
	s31 =	sadd.s32 $0x2D00, s23;
	v41 =	vadd.s32 $0x2E0, v40;
	v38 =	vadd.s32 $0x300, v40;
	v36 =	vadd.s32 $0x320, v40;
	[tilespmem:s11+$0x0] =	vst v24;
	v47 =	vld.idx.msk [tilespmem:v29+s2+$0x0], $0xffff  }
0x189: {  	v34 =	vadd.s32 $0x340, v40;
	v20 =	vadd.s32 $0x3C0, v40;
	v8 =	vadd.s32 $0x3E0, v40;
	s14 =	sor.u32 s22, s31;
	v44 =	vld.idx.msk [tilespmem:v39+s2+$0x0], $0xffff;
	s0 =	rddreg [dreg:$0xc];
	[tilespmem:s5+$0x0] =	vst v13  }
0x18a: {  	v18 =	vadd.s32 $0x460, v40;
	v17 =	vadd.s32 $0x480, v40;
	v22 =	vadd.s32 $0x3A0, v40;
	s31 =	sor.u32 s21, s31;
	[tilespmem:s14+$0x0] =	vst v11;
	v48 =	vld.idx.msk [tilespmem:v21+s2+$0x0], $0xffff  }
0x18b: {  	s7 =	sor.u32 s24, s12;
	s12 =	simm.s32 $0x8;
	v23 =	vadd.s32 $0x420, v40;
	v24 =	vadd.s32 $0x380, v40;
	v29 =	vadd.s32 $0x360, v40;
	s0 =	sor.u32 s24, s0;
	v43 =	vld.idx.msk [tilespmem:v37+s2+$0x0], $0xffff;
	[tilespmem:s31+$0x0] =	vst v50  }
0x18c: {  	s30 =	sadd.s32 $0x3980, s17;
	s29 =	sor.u32 s15, s9;
	s11 =	sor.u32 s28, s4;
	v39 =	vadd.s32 $0x400, v40;
	v13 =	vadd.s32 $0x4C0, v40;
	v50 =	vld.idx.msk [tilespmem:v52+s2+$0x0], $0xffff;
	[tilespmem:s0+$0x0] =	vst v45;
	v45 =	vadd.s32 $0x420, v0  }
0x18d: {  	s14 =	sor.u32 s28, s13;
	v11 =	vadd.s32 $0x4E0, v40;
	v21 =	vadd.s32 $0x440, v40;
	s24 =	sor.u32 s28, s3;
	v37 =	vadd.s32 $0x4A0, v40;
	s28 =	simm.s32 $0xA0;
	v40 =	vld.idx.msk [tilespmem:v51+s2+$0x0], $0xffff  }
.LBB2_2:
0x18e: {  	[tilespmem:$0x1FFF0] =	vst v8  }
0x18f: {  	v51 =	vadd.s32 $0x160, v9;
	[tilespmem:s26+$0x980] =	vst v47;
	s3 =	sor.u32 s16, s30  }
0x190: {  	s6 =	sand.u32 $0x60, s28;
	s10 =	sadd.s32 $0x40, s10;
	v1 =	vmov v37;
	v37 =	vld.idx.msk [tilespmem:v49+s2+$0x0], $0xffff;
	[tilespmem:s3+$0x0] =	vst v44  }
0x191: {  	[tilespmem:$0x1FFD0] =	vst v53;
	s9 =	sadd.s32 $0x3100, s23;
	s5 =	sand.u32 $0x300, s10;
	s4 =	sor.u32 $0x10, s6;
	v45 =	vld.idx.msk [tilespmem:v45+s2+$0x0], $0xffff  }
0x192: {  	[dreg:$0x5] =	wrdreg s7;
	s7 =	sor.u32 s22, s9;
	s0 =	sor.u32 s5, s4;
	v63 =	vld.idx.msk [tilespmem:v7+s2+$0x0], $0xffff;
	[tilespmem:s25+$0x980] =	vst v48;
	v48 =	vadd.s32 $0x2C0, v16  }
0x193: {  	v44 =	vld [tilespmem:s0+$0x500];
	[tilespmem:s7+$0x0] =	vst v50  }
0x194: {  	s9 =	sor.u32 s21, s9;
	s13 =	sor.u32 s6, s5;
	s25 =	sadd.s32 $0xD80, s20;
	[tilespmem:s29+$0x0] =	vst v43;
	v62 =	vld.idx.msk [tilespmem:v51+s2+$0x0], $0xffff  }
0x195: {  	v43 =	vadd.s32 $0x440, v0;
	s3 =	sor.u32 s19, s25;
	v53 =	vld [tilespmem:s13+$0x500];
	[tilespmem:s9+$0x0] =	vst v40  }
0x196: {  	[tilespmem:s3+$0x0] =	vst v37;
	v35 =	vld.idx.msk [tilespmem:v35+s2+$0x0], $0xffff  }
0x197: {  	s26 =	sadd.s32 $0x3D80, s17;
	[tilespmem:s11+$0x0] =	vst v63;
	v63 =	vadd.s32 $0x180, v9;
	v51 =	vld.idx.msk [tilespmem:v48+s2+$0x0], $0xffff  }
0x198: {  	[dreg:$0x6] =	wrdreg s14;
	v8 =	vmov v56;
	v56 =	vadd.s32 $0x2E0, v16;
	v10 =	vmov v57;
	[tilespmem:$0x1FFC0] =	vst v1;
	s14 =	sor.u32 s16, s26;
	v49 =	vld.idx.msk [tilespmem:v46+s2+$0x0], $0xffff  }
0x199: {  	v3 =	vadd.s32 $0x1A0, v9;
	v2 =	vmovc v6;
	s9 =	sor.u32 s18, s25;
	s25 =	sadd.s32 $0x3500, s23;
	[tilespmem:s14+$0x0] =	vst v45;
	v57 =	vld.idx.msk [tilespmem:v5+s2+$0x0], $0xffff;
	v5 =	vmovc v13;
	v13 =	vmov v59;
	v59 =	vadd.s32 $0x460, v0  }
0x19a: {  	v6 =	vmovc v54;
	v7 =	vmovc v55;
	[tilespmem:$0x1FFE0] =	vst v2;
	s11 =	sor.u32 s22, s25;
	v45 =	vld.idx.msk [tilespmem:v43+s2+$0x0], $0xffff;
	v54 =	vadd.s32 $0x20, v53;
	v55 =	vadd.s32 $0x40, v53;
	v52 =	vadd.s32 $0x60, v53  }
0x19b: {  	v19 =	vmovc v39;
	v12 =	vmovc v58;
	s29 =	sor.u32 s15, s26;
	s26 =	sor.u32 s21, s25;
	s14 =	sadd.s32 $0x1180, s20;
	v50 =	vadd.s32 $0x80, v53;
	v48 =	vadd.s32 $0xA0, v53;
	v46 =	vadd.s32 $0xC0, v53;
	v58 =	vld.idx.msk [tilespmem:v44+s2+$0x0], $0xffff;
	[tilespmem:s11+$0x0] =	vst v62  }
0x19c: {  	v14 =	vmovc v11;
	v11 =	vmovc v60;
	v43 =	vadd.s32 $0xE0, v53;
	v39 =	vadd.s32 $0x100, v53;
	v37 =	vadd.s32 $0x120, v53;
	s11 =	sor.u32 s19, s14;
	[tilespmem:s26+$0x0] =	vst v35;
	v60 =	vld.idx.msk [tilespmem:v63+s2+$0x0], $0xffff  }
0x19d: {  	v15 =	vmovc v61;
	s3 =	smov.u32 s24;
	s24 =	sadd.s32 $0x4180, s17;
	v40 =	vadd.s32 $0x140, v53;
	v47 =	vadd.s32 $0x180, v53;
	v62 =	vadd.s32 $0x20, v44;
	v61 =	vld.idx.msk [tilespmem:v53+s2+$0x0], $0xffff;
	[tilespmem:s11+$0x0] =	vst v51  }
0x19e: {  	s25 =	sor.u32 s16, s24;
	v1 =	vadd.s32 $0x1C0, v53;
	v4 =	vadd.s32 $0x1E0, v53;
	v35 =	vadd.s32 $0x160, v53;
	[tilespmem:s9+$0x0] =	vst v49;
	v56 =	vld.idx.msk [tilespmem:v56+s2+$0x0], $0xffff  }
0x19f: {  	s8 =	sor.u32 s15, s30;
	s31 =	smov.u32 s1;
	v63 =	vadd.s32 $0x1A0, v53;
	v51 =	vadd.s32 $0x200, v53;
	v49 =	vadd.s32 $0x220, v53;
	[tilespmem:s25+$0x0] =	vst v45;
	v2 =	vld.idx.msk [tilespmem:v33+s2+$0x0], $0xffff  }
0x1a0: {  	s1 =	smov.u32 s0;
	s0 =	rddreg [dreg:$0x4];
	s26 =	sadd.s32 $0x3900, s23;
	v45 =	vadd.s32 $0x260, v53;
	v33 =	vmovc v47;
	v47 =	vadd.s32 $0x240, v53;
	[tilespmem:s8+$0x0] =	vst v57;
	v53 =	vld.idx.msk [tilespmem:v59+s2+$0x0], $0xffff;
	v57 =	vadd.s32 $0x300, v16  }
0x1a1: {  	s7 =	smov.u32 s0;
	s11 =	sor.u32 s22, s26;
	[tilespmem:s1+$0x900] =	vst v58;
	v42 =	vld.idx.msk [tilespmem:v42+s2+$0x0], $0xffff  }
0x1a2: {  	s0 =	smov.u32 s13;
	s9 =	sor.u32 s18, s14;
	s14 =	sadd.s32 $0x1580, s20;
	v59 =	vadd.s32 $0x480, v0;
	v58 =	vld.idx.msk [tilespmem:v62+s2+$0x0], $0xffff;
	[tilespmem:s11+$0x0] =	vst v60  }
0x1a3: {  	s30 =	sor.u32 s15, s24;
	s24 =	sor.u32 s19, s14;
	[tilespmem:s0+$0x900] =	vst v61;
	v3 =	vld.idx.msk [tilespmem:v3+s2+$0x0], $0xffff  }
0x1a4: {  	s13 =	sor.u32 s21, s26;
	s25 =	sadd.s32 $0x4580, s17;
	v60 =	vadd.s32 $0x40, v44;
	v54 =	vld.idx.msk [tilespmem:v54+s2+$0x0], $0xffff;
	[tilespmem:s24+$0x0] =	vst v56  }
0x1a5: {  	v61 =	vadd.s32 $0x1C0, v9;
	s11 =	sor.u32 s16, s25;
	[tilespmem:s13+$0x0] =	vst v2;
	v56 =	vld.idx.msk [tilespmem:v57+s2+$0x0], $0xffff  }
0x1a6: {  	[dreg:$0x4] =	wrdreg s0;
	s26 =	sadd.s32 $0xD00, s5;
	[tilespmem:s11+$0x0] =	vst v53;
	v2 =	vld.idx.msk [tilespmem:v32+s2+$0x0], $0xffff  }
0x1a7: {  	s0 =	sadd.s32 $0x3D00, s23;
	s13 =	sor.u32 s18, s14;
	s14 =	sor.u32 s4, s26;
	[tilespmem:s9+$0x0] =	vst v42;
	v42 =	vld.idx.msk [tilespmem:v59+s2+$0x0], $0xffff  }
0x1a8: {  	s11 =	sor.u32 s6, s26;
	s26 =	sor.u32 s22, s0;
	v53 =	vadd.s32 $0x320, v16;
	[tilespmem:s14+$0x0] =	vst v58;
	v41 =	vld.idx.msk [tilespmem:v41+s2+$0x0], $0xffff  }
0x1a9: {  	v60 =	vld.idx.msk [tilespmem:v60+s2+$0x0], $0xffff;
	[tilespmem:s26+$0x0] =	vst v3  }
0x1aa: {  	s8 =	sor.u32 s15, s25;
	s25 =	sor.u32 s21, s0;
	s0 =	sadd.s32 $0x1980, s20;
	v3 =	vadd.s32 $0x4A0, v0;
	[tilespmem:s11+$0x0] =	vst v54;
	v61 =	vld.idx.msk [tilespmem:v61+s2+$0x0], $0xffff  }
0x1ab: {  	v62 =	vadd.s32 $0x60, v44;
	s24 =	sor.u32 s19, s0;
	v55 =	vld.idx.msk [tilespmem:v55+s2+$0x0], $0xffff;
	[tilespmem:s25+$0x0] =	vst v2  }
0x1ac: {  	v32 =	vmov v63;
	v63 =	vadd.s32 $0x1E0, v9;
	[tilespmem:s24+$0x0] =	vst v56;
	s25 =	sadd.s32 $0x4980, s17;
	v2 =	vld.idx.msk [tilespmem:v31+s2+$0x0], $0xffff  }
0x1ad: {  	s26 =	sadd.s32 $0x1100, s5;
	s11 =	sor.u32 s16, s25;
	v31 =	vmov v1;
	v1 =	vld.idx.msk [tilespmem:v53+s2+$0x0], $0xffff;
	[tilespmem:s13+$0x0] =	vst v41  }
0x1ae: {  	s14 =	sor.u32 s18, s0;
	s0 =	sadd.s32 $0x4100, s23;
	s24 =	sor.u32 s4, s26;
	[tilespmem:s11+$0x0] =	vst v42;
	v38 =	vld.idx.msk [tilespmem:v38+s2+$0x0], $0xffff  }
0x1af: {  	s11 =	sor.u32 s6, s26;
	s26 =	sor.u32 s22, s0;
	v3 =	vld.idx.msk [tilespmem:v3+s2+$0x0], $0xffff;
	[tilespmem:s24+$0x0] =	vst v60;
	v60 =	vadd.s32 $0x340, v16  }
0x1b0: {  	v42 =	vld.idx.msk [tilespmem:v62+s2+$0x0], $0xffff;
	[tilespmem:s26+$0x0] =	vst v61  }
0x1b1: {  	s13 =	sor.u32 s21, s0;
	s0 =	sadd.s32 $0x1D80, s20;
	v61 =	vadd.s32 $0x4C0, v0;
	[tilespmem:s11+$0x0] =	vst v55;
	v54 =	vld.idx.msk [tilespmem:v63+s2+$0x0], $0xffff  }
0x1b2: {  	v62 =	vadd.s32 $0x80, v44;
	s11 =	sor.u32 s19, s0;
	v52 =	vld.idx.msk [tilespmem:v52+s2+$0x0], $0xffff;
	[tilespmem:s13+$0x0] =	vst v2  }
0x1b3: {  	s9 =	sor.u32 s15, s25;
	s25 =	sadd.s32 $0x4D80, s17;
	v63 =	vadd.s32 $0x200, v9;
	[tilespmem:s11+$0x0] =	vst v1;
	v2 =	vld.idx.msk [tilespmem:v30+s2+$0x0], $0xffff  }
0x1b4: {  	s24 =	sor.u32 s18, s0;
	s26 =	sadd.s32 $0x1500, s5;
	s13 =	sor.u32 s16, s25;
	[tilespmem:s14+$0x0] =	vst v38;
	v1 =	vld.idx.msk [tilespmem:v60+s2+$0x0], $0xffff  }
0x1b5: {  	s0 =	sadd.s32 $0x4500, s23;
	s11 =	sor.u32 s15, s25;
	s25 =	sor.u32 s4, s26;
	v30 =	vmov v4;
	[tilespmem:s13+$0x0] =	vst v3;
	v4 =	vld.idx.msk [tilespmem:v36+s2+$0x0], $0xffff  }
0x1b6: {  	v58 =	vadd.s32 $0x360, v16;
	s13 =	sor.u32 s6, s26;
	s26 =	sor.u32 s22, s0;
	v3 =	vld.idx.msk [tilespmem:v61+s2+$0x0], $0xffff;
	[tilespmem:s25+$0x0] =	vst v42  }
0x1b7: {  	v59 =	vld.idx.msk [tilespmem:v62+s2+$0x0], $0xffff;
	[tilespmem:s26+$0x0] =	vst v54  }
0x1b8: {  	s14 =	sor.u32 s21, s0;
	v60 =	vadd.s32 $0x4E0, v0;
	v0 =	vmov v16;
	s0 =	sadd.s32 $0x2180, s20;
	[tilespmem:s13+$0x0] =	vst v52;
	v16 =	vld.idx.msk [tilespmem:v63+s2+$0x0], $0xffff  }
0x1b9: {  	v62 =	vadd.s32 $0xA0, v44;
	s13 =	sor.u32 s19, s0;
	v61 =	vld.idx.msk [tilespmem:v50+s2+$0x0], $0xffff;
	[tilespmem:s14+$0x0] =	vst v2  }
0x1ba: {  	s25 =	sor.u32 s18, s0;
	s26 =	sadd.s32 $0x5180, s17;
	v63 =	vadd.s32 $0x220, v9;
	v2 =	vld.idx.msk [tilespmem:v28+s2+$0x0], $0xffff;
	[tilespmem:s13+$0x0] =	vst v1  }
0x1bb: {  	s0 =	sadd.s32 $0x1900, s5;
	s14 =	sor.u32 s16, s26;
	s13 =	sor.u32 s15, s26;
	[tilespmem:s24+$0x0] =	vst v4;
	v1 =	vld.idx.msk [tilespmem:v58+s2+$0x0], $0xffff  }
0x1bc: {  	s26 =	sor.u32 s4, s0;
	[tilespmem:s14+$0x0] =	vst v3;
	s14 =	sor.u32 s6, s0;
	s0 =	sadd.s32 $0x4900, s23;
	v4 =	vld.idx.msk [tilespmem:v34+s2+$0x0], $0xffff  }
0x1bd: {  	v3 =	vld.idx.msk [tilespmem:v60+s2+$0x0], $0xffff;
	[tilespmem:s26+$0x0] =	vst v59;
	s24 =	sor.u32 s21, s0;
	s0 =	sor.u32 s22, s0  }
0x1be: {  	v28 =	vmov v51;
	v51 =	vld.idx.msk [tilespmem:v62+s2+$0x0], $0xffff;
	[tilespmem:s0+$0x0] =	vst v16  }
0x1bf: {  	v16 =	vadd.s32 $0x380, v0;
	[tilespmem:s14+$0x0] =	vst v61;
	s0 =	sadd.s32 $0x2580, s20;
	v53 =	vld.idx.msk [tilespmem:v63+s2+$0x0], $0xffff  }
0x1c0: {  	v55 =	vadd.s32 $0xC0, v44;
	s17 =	sadd.s32 $0x5580, s17;
	v54 =	vld.idx.msk [tilespmem:v48+s2+$0x0], $0xffff;
	s14 =	sor.u32 s18, s0;
	s0 =	sor.u32 s19, s0;
	[tilespmem:s24+$0x0] =	vst v2  }
0x1c1: {  	v56 =	vadd.s32 $0x240, v9;
	s16 =	sor.u32 s16, s17;
	s24 =	sor.u32 s15, s17;
	s15 =	smov.u32 s18;
	v2 =	vld.idx.msk [tilespmem:v27+s2+$0x0], $0xffff;
	[tilespmem:s0+$0x0] =	vst v1  }
0x1c2: {  	s17 =	sadd.s32 $0x1D00, s5;
	s18 =	smov.u32 s21;
	s21 =	smov.u32 s6;
	v1 =	vld.idx.msk [tilespmem:v15+s2+$0x0], $0xffff;
	[tilespmem:s25+$0x0] =	vst v4  }
0x1c3: {  	s0 =	sor.u32 s21, s17;
	[tilespmem:s16+$0x0] =	vst v3;
	s16 =	sor.u32 s4, s17;
	s17 =	sadd.s32 $0x4D00, s23;
	v4 =	vld.idx.msk [tilespmem:v29+s2+$0x0], $0xffff  }
0x1c4: {  	v3 =	vld.idx.msk [tilespmem:v16+s2+$0x0], $0xffff;
	[tilespmem:s16+$0x0] =	vst v51;
	s16 =	sor.u32 s22, s17  }
0x1c5: {  	v61 =	vmov v23;
	v23 =	vadd.s32 $0x3A0, v0;
	v16 =	vld.idx.msk [tilespmem:v55+s2+$0x0], $0xffff;
	[tilespmem:s16+$0x0] =	vst v53  }
0x1c6: {  	s6 =	sor.u32 s18, s17;
	s17 =	smov.u32 s20;
	[tilespmem:s0+$0x0] =	vst v54;
	v29 =	vld.idx.msk [tilespmem:v56+s2+$0x0], $0xffff  }
0x1c7: {  	v58 =	vadd.s32 $0xE0, v44;
	s20 =	smov.u32 s23;
	s16 =	smov.u32 s19;
	v57 =	vld.idx.msk [tilespmem:v46+s2+$0x0], $0xffff;
	[tilespmem:s6+$0x0] =	vst v2;
	s6 =	sadd.s32 $0x2980, s17  }
0x1c8: {  	v59 =	vadd.s32 $0x260, v9;
	s23 =	smov.u32 s5;
	s19 =	smov.u32 s22;
	v2 =	vld.idx.msk [tilespmem:v26+s2+$0x0], $0xffff;
	s0 =	sor.u32 s16, s6;
	[tilespmem:s29+$0x0] =	vst v1  }
0x1c9: {  	s22 =	smov.u32 s4;
	s5 =	sadd.s32 $0x2100, s23;
	s4 =	sor.u32 s15, s6;
	[tilespmem:s0+$0x0] =	vst v3;
	v1 =	vld.idx.msk [tilespmem:v11+s2+$0x0], $0xffff  }
0x1ca: {  	s6 =	sadd.s32 $0x5100, s20;
	s0 =	sor.u32 s21, s5;
	s5 =	sor.u32 s22, s5;
	[tilespmem:s14+$0x0] =	vst v4;
	v3 =	vld.idx.msk [tilespmem:v23+s2+$0x0], $0xffff  }
0x1cb: {  	s14 =	sor.u32 s18, s6;
	s6 =	sor.u32 s19, s6;
	[tilespmem:s5+$0x0] =	vst v16;
	v4 =	vld.idx.msk [tilespmem:v24+s2+$0x0], $0xffff  }
0x1cc: {  	v60 =	vmov v21;
	v21 =	vadd.s32 $0x3C0, v0;
	v16 =	vld.idx.msk [tilespmem:v58+s2+$0x0], $0xffff;
	[tilespmem:s6+$0x0] =	vst v29  }
0x1cd: {  	v9 =	vmov v44;
	[tilespmem:s0+$0x0] =	vst v57;
	v23 =	vld.idx.msk [tilespmem:v59+s2+$0x0], $0xffff  }
0x1ce: {  	v29 =	vadd.s32 $0x100, v9;
	s6 =	sadd.s32 $0x2D80, s17;
	v24 =	vld.idx.msk [tilespmem:v43+s2+$0x0], $0xffff;
	[tilespmem:s14+$0x0] =	vst v2  }
0x1cf: {  	s0 =	sor.u32 s16, s6;
	v2 =	vld.idx.msk [tilespmem:v25+s2+$0x0], $0xffff;
	[tilespmem:s30+$0x0] =	vst v1  }
0x1d0: {  	s5 =	sor.u32 s15, s6;
	s14 =	sadd.s32 $0x2500, s23;
	[tilespmem:s0+$0x0] =	vst v3;
	v1 =	vld.idx.msk [tilespmem:v13+s2+$0x0], $0xffff  }
0x1d1: {  	s6 =	sor.u32 s22, s14;
	s0 =	sor.u32 s21, s14;
	s14 =	sadd.s32 $0x5500, s20;
	[tilespmem:s4+$0x0] =	vst v4;
	v3 =	vld.idx.msk [tilespmem:v21+s2+$0x0], $0xffff  }
0x1d2: {  	[tilespmem:s6+$0x0] =	vst v16;
	s4 =	sor.u32 s18, s14;
	s14 =	sor.u32 s19, s14;
	v4 =	vld.idx.msk [tilespmem:v22+s2+$0x0], $0xffff  }
0x1d3: {  	v59 =	vmov v18;
	v18 =	vld.idx.msk [tilespmem:v29+s2+$0x0], $0xffff;
	[tilespmem:s14+$0x0] =	vst v23  }
0x1d4: {  	v21 =	vadd.s32 $0x3E0, v0;
	v16 =	vld [tilespmem:s31+$0x580]  }
0x1d5: {  	[tilespmem:s0+$0x0] =	vst v24  }
0x1d6: {  	s6 =	sadd.s32 $0x3180, s17;
	v22 =	vld.idx.msk [tilespmem:v39+s2+$0x0], $0xffff;
	[tilespmem:s4+$0x0] =	vst v2;
	v2 =	vadd.s32 $0x120, v9  }
0x1d7: {  	s0 =	sor.u32 s16, s6;
	v51 =	vld [tilespmem:s7+$0x580];
	[tilespmem:s8+$0x0] =	vst v1  }
0x1d8: {  	s26 =	smov.u32 s31;
	s31 =	sadd.s32 $0x2900, s23;
	[tilespmem:s0+$0x0] =	vst v3;
	v1 =	vld.idx.msk [tilespmem:v12+s2+$0x0], $0xffff  }
0x1d9: {  	[tilespmem:s5+$0x0] =	vst v4;
	s0 =	sor.u32 s22, s31;
	v3 =	vld.idx.msk [tilespmem:v21+s2+$0x0], $0xffff;
	v4 =	vadd.s32 $0x280, v16  }
0x1da: {  	[tilespmem:s0+$0x0] =	vst v18;
	v18 =	vadd.s32 $0x400, v0  }
0x1db: {  	v2 =	vld.idx.msk [tilespmem:v2+s2+$0x0], $0xffff  }
0x1dc: {  	s25 =	smov.u32 s7;
	v53 =	vmov v7;
	v7 =	vld [tilespmem:$0x1FFE0];
	s7 =	sadd.s32 $0x3580, s17  }
0x1dd: {  	v58 =	vmov v17;
	v17 =	vld.idx.msk [tilespmem:v20+s2+$0x0], $0xffff;
	s0 =	sor.u32 s16, s7  }
0x1de: {  	v26 =	vmov v47;
	s8 =	sadd.s32 $0x2D00, s23;
	v47 =	vld.idx.msk [tilespmem:v4+s2+$0x0], $0xffff;
	[tilespmem:s0+$0x0] =	vst v3  }
0x1df: {  	s0 =	sor.u32 s22, s8;
	v44 =	vld.idx.msk [tilespmem:v18+s2+$0x0], $0xffff  }
0x1e0: {  	[tilespmem:s0+$0x0] =	vst v2;
	v2 =	vld [tilespmem:$0x1FFF0]  }
0x1e1: {  	v57 =	vmov v8;
	v8 =	vld [tilespmem:$0x1FFD0];
	s14 =	sor.u32 s15, s6;
	s6 =	sor.u32 s21, s31;
	v13 =	vadd.s32 $0x280, v51  }
0x1e2: {  	v63 =	vadd.s32 $0x140, v9;
	v43 =	vld.idx.msk [tilespmem:v10+s2+$0x0], $0xffff;
	[tilespmem:s6+$0x0] =	vst v22  }
0x1e3: {  	s12 =	sadd.s32 $0x2, s12;
	v27 =	vmovc v49;
	v25 =	vmovc v45;
	v45 =	vadd.s32 $0x420, v0;
	v49 =	vadd.s32 $0x2A0, v16;
	v62 =	vld.idx.msk [tilespmem:v37+s2+$0x0], $0xffff;
	v46 =	vadd.s32 $0x2A0, v51;
	[tilespmem:s9+$0x0] =	vst v1  }
0x1e4: {  	p0 =	slt.u32 s12, $0x1E;
	v42 =	vadd.s32 $0x2C0, v51;
	v41 =	vadd.s32 $0x2E0, v51;
	v38 =	vadd.s32 $0x300, v51;
	v1 =	vld.idx.msk [tilespmem:v6+s2+$0x0], $0xffff  }
.Ltmp0:
0x1e5: {  	v36 =	vadd.s32 $0x320, v51;
	v34 =	vadd.s32 $0x340, v51;
	v29 =	vadd.s32 $0x360, v51;
	v6 =	vld [tilespmem:$0x1FFC0];
	[tilespmem:s14+$0x0] =	vst v17;
	(pc) =	sbr.rel @p0 .LBB2_2-.Ltmp0, $4  }
0x1e6: {  	v24 =	vadd.s32 $0x380, v51;
	v22 =	vadd.s32 $0x3A0, v51;
	v20 =	vadd.s32 $0x3C0, v51;
	s14 =	rddreg [dreg:$0x6];
	v48 =	vld.idx.msk [tilespmem:v13+s2+$0x0], $0xffff  }
0x1e7: {  	v55 =	vmovc v14;
	v39 =	vadd.s32 $0x400, v51;
	v23 =	vadd.s32 $0x420, v51;
	v21 =	vadd.s32 $0x440, v51;
	s9 =	sor.u32 s21, s8;
	[tilespmem:s14+$0x0] =	vst v43;
	v50 =	vld.idx.msk [tilespmem:v63+s2+$0x0], $0xffff  }
0x1e8: {  	s28 =	sadd.s32 $0x20, s28;
	v56 =	vmovc v5;
	v5 =	vmovc v19;
	s30 =	sadd.s32 $0x3980, s17;
	s31 =	rddreg [dreg:$0x5];
	v37 =	vadd.s32 $0x4A0, v51;
	v11 =	vadd.s32 $0x4E0, v51;
	v3 =	vadd.s32 $0x3E0, v51;
	v43 =	vld.idx.msk [tilespmem:v2+s2+$0x0], $0xffff;
	[tilespmem:s9+$0x0] =	vst v62  }
0x1e9: {  	v54 =	vmovc v8;
	s29 =	sor.u32 s15, s7;
	s7 =	smov.u32 s3;
	v17 =	vadd.s32 $0x480, v51;
	v18 =	vadd.s32 $0x460, v51;
	v8 =	vmovc v3;
	s14 =	smov.u32 s13;
	v13 =	vadd.s32 $0x4C0, v51;
	v40 =	vld.idx.msk [tilespmem:v40+s2+$0x0], $0xffff;
	[tilespmem:s31+$0x0] =	vst v1  }
0x1ea: {  	v1 =	vadd.s32 $0x160, v9;
	_ =	sdelay $0x1  }
0x1eb: {  	s0 =	sadd.s32 $0x3100, s23  }
0x1ec: {  	s3 =	sor.u32 s22, s0  }
0x1ed: {  	s0 =	sor.u32 s21, s0;
	[tilespmem:s3+$0x0] =	vst v50  }
0x1ee: {  	[tilespmem:s0+$0x0] =	vst v40;
	v1 =	vld.idx.msk [tilespmem:v1+s2+$0x0], $0xffff  }
0x1ef: {  	v2 =	vadd.s32 $0x180, v9;
	v3 =	vld.idx.msk [tilespmem:v35+s2+$0x0], $0xffff;
	_ =	sdelay $0x1  }
0x1f0: {  	s6 =	sadd.s32 $0x3500, s23  }
0x1f1: {  	s8 =	sor.u32 s22, s6  }
0x1f2: {  	s0 =	sor.u32 s21, s6;
	[tilespmem:s8+$0x0] =	vst v1  }
0x1f3: {  	[tilespmem:s0+$0x0] =	vst v3;
	v1 =	vld.idx.msk [tilespmem:v2+s2+$0x0], $0xffff  }
0x1f4: {  	v14 =	vadd.s32 $0x1A0, v9;
	v3 =	vld.idx.msk [tilespmem:v33+s2+$0x0], $0xffff;
	_ =	sdelay $0x1  }
0x1f5: {  	s9 =	sadd.s32 $0x3900, s23  }
0x1f6: {  	s10 =	sor.u32 s22, s9  }
0x1f7: {  	s0 =	sor.u32 s21, s9;
	[tilespmem:s10+$0x0] =	vst v1  }
0x1f8: {  	[tilespmem:s0+$0x0] =	vst v3;
	v1 =	vld.idx.msk [tilespmem:v14+s2+$0x0], $0xffff  }
0x1f9: {  	v15 =	vadd.s32 $0x1C0, v9;
	v3 =	vld.idx.msk [tilespmem:v32+s2+$0x0], $0xffff;
	_ =	sdelay $0x1  }
0x1fa: {  	s12 =	sadd.s32 $0x3D00, s23  }
0x1fb: {  	s13 =	sor.u32 s22, s12  }
0x1fc: {  	s0 =	sor.u32 s21, s12;
	[tilespmem:s13+$0x0] =	vst v1  }
0x1fd: {  	[tilespmem:s0+$0x0] =	vst v3;
	v1 =	vld.idx.msk [tilespmem:v15+s2+$0x0], $0xffff  }
0x1fe: {  	v19 =	vadd.s32 $0x1E0, v9;
	v3 =	vld.idx.msk [tilespmem:v31+s2+$0x0], $0xffff;
	_ =	sdelay $0x1  }
0x1ff: {  	s28 =	sadd.s32 $0x4100, s23  }
0x200: {  	s31 =	sor.u32 s22, s28  }
0x201: {  	s0 =	sor.u32 s21, s28;
	[tilespmem:s31+$0x0] =	vst v1  }
0x202: {  	[tilespmem:s0+$0x0] =	vst v3;
	v1 =	vld.idx.msk [tilespmem:v19+s2+$0x0], $0xffff  }
0x203: {  	v32 =	vadd.s32 $0x200, v9;
	v3 =	vld.idx.msk [tilespmem:v30+s2+$0x0], $0xffff;
	_ =	sdelay $0x1  }
0x204: {  	s4 =	sadd.s32 $0x4500, s23  }
0x205: {  	s5 =	sor.u32 s22, s4  }
0x206: {  	s0 =	sor.u32 s21, s4;
	[tilespmem:s5+$0x0] =	vst v1  }
0x207: {  	[tilespmem:s0+$0x0] =	vst v3;
	v1 =	vld.idx.msk [tilespmem:v32+s2+$0x0], $0xffff  }
0x208: {  	v33 =	vadd.s32 $0x220, v9;
	v3 =	vld.idx.msk [tilespmem:v28+s2+$0x0], $0xffff;
	_ =	sdelay $0x1  }
0x209: {  	s6 =	sadd.s32 $0x4900, s23  }
0x20a: {  	s8 =	sor.u32 s22, s6  }
0x20b: {  	s0 =	sor.u32 s21, s6;
	[tilespmem:s8+$0x0] =	vst v1  }
0x20c: {  	[tilespmem:s0+$0x0] =	vst v3;
	v1 =	vld.idx.msk [tilespmem:v33+s2+$0x0], $0xffff  }
0x20d: {  	v35 =	vadd.s32 $0x240, v9;
	v3 =	vld.idx.msk [tilespmem:v27+s2+$0x0], $0xffff;
	_ =	sdelay $0x1  }
0x20e: {  	s9 =	sadd.s32 $0x4D00, s23  }
0x20f: {  	s10 =	sor.u32 s22, s9  }
0x210: {  	s0 =	sor.u32 s21, s9;
	[tilespmem:s10+$0x0] =	vst v1  }
0x211: {  	[tilespmem:s0+$0x0] =	vst v3;
	v1 =	vld.idx.msk [tilespmem:v35+s2+$0x0], $0xffff  }
0x212: {  	v40 =	vadd.s32 $0x260, v9;
	v3 =	vld.idx.msk [tilespmem:v26+s2+$0x0], $0xffff;
	_ =	sdelay $0x1  }
0x213: {  	s12 =	sadd.s32 $0x5100, s23  }
0x214: {  	s13 =	sor.u32 s22, s12  }
0x215: {  	s0 =	sor.u32 s21, s12;
	[tilespmem:s13+$0x0] =	vst v1  }
0x216: {  	[tilespmem:s0+$0x0] =	vst v3;
	v1 =	vld.idx.msk [tilespmem:v40+s2+$0x0], $0xffff  }
0x217: {  	v50 =	vld.idx.msk [tilespmem:v25+s2+$0x0], $0xffff;
	_ =	sdelay $0x1  }
0x218: {  	s28 =	sadd.s32 $0x5500, s23  }
0x219: {  	s31 =	sor.u32 s22, s28  }
0x21a: {  	s0 =	sor.u32 s21, s28;
	[tilespmem:s31+$0x0] =	vst v1  }
0x21b: {  	[tilespmem:s0+$0x0] =	vst v50  }
0x21c: {  	v25 =	vld [tilespmem:s1+$0x580];
	s3 =	rddreg [dreg:$0x4]  }
0x21d: {  	v9 =	vld [tilespmem:s3+$0x580];
	_ =	sdelay $0x3  }
0x21e: {  	v51 =	vadd.s32 $0x280, v25  }
0x21f: {  	v52 =	vadd.s32 $0x280, v9;
	_ =	sdelay $0x3  }
0x220: {  	v1 =	vld.idx.msk [tilespmem:v51+s2+$0x0], $0xffff  }
0x221: {  	[tilespmem:s26+$0x980] =	vst v47;
	v62 =	vadd.s32 $0x2A0, v25;
	v2 =	vld.idx.msk [tilespmem:v52+s2+$0x0], $0xffff  }
0x222: {  	v4 =	vld.idx.msk [tilespmem:v49+s2+$0x0], $0xffff;
	v63 =	vadd.s32 $0x2A0, v9  }
0x223: {  	v10 =	vadd.s32 $0x2C0, v16;
	[tilespmem:s25+$0x980] =	vst v48  }
0x224: {  	v14 =	vld.idx.msk [tilespmem:v46+s2+$0x0], $0xffff  }
0x225: {  	s4 =	sadd.s32 $0xD80, s20;
	[tilespmem:s1+$0x980] =	vst v1  }
0x226: {  	s5 =	sor.u32 s19, s4;
	v1 =	vld.idx.msk [tilespmem:v62+s2+$0x0], $0xffff;
	[tilespmem:s3+$0x980] =	vst v2  }
0x227: {  	v12 =	vadd.s32 $0x2C0, v25;
	[tilespmem:s5+$0x0] =	vst v4;
	v2 =	vld.idx.msk [tilespmem:v63+s2+$0x0], $0xffff  }
0x228: {  	s0 =	sor.u32 s18, s4;
	v15 =	vadd.s32 $0x2C0, v9;
	v4 =	vld.idx.msk [tilespmem:v10+s2+$0x0], $0xffff  }
0x229: {  	v19 =	vadd.s32 $0x2E0, v16;
	s6 =	sadd.s32 $0xD80, s23;
	[tilespmem:s0+$0x0] =	vst v14  }
0x22a: {  	s8 =	sor.u32 s22, s6;
	v28 =	vld.idx.msk [tilespmem:v42+s2+$0x0], $0xffff  }
0x22b: {  	s9 =	sadd.s32 $0x1180, s20;
	s10 =	sor.u32 s21, s6;
	[tilespmem:s8+$0x0] =	vst v1  }
0x22c: {  	s12 =	sor.u32 s19, s9;
	v1 =	vld.idx.msk [tilespmem:v12+s2+$0x0], $0xffff;
	[tilespmem:s10+$0x0] =	vst v2  }
0x22d: {  	v32 =	vadd.s32 $0x2E0, v25;
	[tilespmem:s12+$0x0] =	vst v4;
	v2 =	vld.idx.msk [tilespmem:v15+s2+$0x0], $0xffff  }
0x22e: {  	s26 =	sor.u32 s18, s9;
	v33 =	vadd.s32 $0x2E0, v9;
	v4 =	vld.idx.msk [tilespmem:v19+s2+$0x0], $0xffff  }
0x22f: {  	v35 =	vadd.s32 $0x300, v16;
	s13 =	sadd.s32 $0x1180, s23;
	[tilespmem:s26+$0x0] =	vst v28  }
0x230: {  	s25 =	sor.u32 s22, s13;
	v28 =	vld.idx.msk [tilespmem:v41+s2+$0x0], $0xffff  }
0x231: {  	s28 =	sadd.s32 $0x1580, s20;
	s0 =	sor.u32 s21, s13;
	[tilespmem:s25+$0x0] =	vst v1  }
0x232: {  	s31 =	sor.u32 s19, s28;
	v1 =	vld.idx.msk [tilespmem:v32+s2+$0x0], $0xffff;
	[tilespmem:s0+$0x0] =	vst v2  }
0x233: {  	v40 =	vadd.s32 $0x300, v25;
	[tilespmem:s31+$0x0] =	vst v4;
	v2 =	vld.idx.msk [tilespmem:v33+s2+$0x0], $0xffff  }
0x234: {  	s6 =	sor.u32 s18, s28;
	v41 =	vadd.s32 $0x300, v9;
	v4 =	vld.idx.msk [tilespmem:v35+s2+$0x0], $0xffff  }
0x235: {  	s4 =	sadd.s32 $0x1580, s23;
	v42 =	vadd.s32 $0x320, v16;
	[tilespmem:s6+$0x0] =	vst v28  }
0x236: {  	s5 =	sor.u32 s22, s4;
	v28 =	vld.idx.msk [tilespmem:v38+s2+$0x0], $0xffff  }
0x237: {  	s8 =	sadd.s32 $0x1980, s20;
	s0 =	sor.u32 s21, s4;
	[tilespmem:s5+$0x0] =	vst v1  }
0x238: {  	s9 =	sor.u32 s19, s8;
	v1 =	vld.idx.msk [tilespmem:v40+s2+$0x0], $0xffff;
	[tilespmem:s0+$0x0] =	vst v2  }
0x239: {  	v46 =	vadd.s32 $0x320, v25;
	[tilespmem:s9+$0x0] =	vst v4;
	v2 =	vld.idx.msk [tilespmem:v41+s2+$0x0], $0xffff  }
0x23a: {  	v47 =	vadd.s32 $0x320, v9;
	s13 =	sor.u32 s18, s8;
	v4 =	vld.idx.msk [tilespmem:v42+s2+$0x0], $0xffff  }
0x23b: {  	v48 =	vadd.s32 $0x340, v16;
	s10 =	sadd.s32 $0x1980, s23;
	[tilespmem:s13+$0x0] =	vst v28  }
0x23c: {  	s12 =	sor.u32 s22, s10;
	v28 =	vld.idx.msk [tilespmem:v36+s2+$0x0], $0xffff  }
0x23d: {  	s25 =	sadd.s32 $0x1D80, s20;
	s0 =	sor.u32 s21, s10;
	[tilespmem:s12+$0x0] =	vst v1  }
0x23e: {  	s26 =	sor.u32 s19, s25;
	v1 =	vld.idx.msk [tilespmem:v46+s2+$0x0], $0xffff;
	[tilespmem:s0+$0x0] =	vst v2  }
0x23f: {  	v49 =	vadd.s32 $0x340, v25;
	[tilespmem:s26+$0x0] =	vst v4;
	v2 =	vld.idx.msk [tilespmem:v47+s2+$0x0], $0xffff  }
0x240: {  	v50 =	vadd.s32 $0x340, v9;
	s3 =	sor.u32 s18, s25;
	v4 =	vld.idx.msk [tilespmem:v48+s2+$0x0], $0xffff  }
0x241: {  	s28 =	sadd.s32 $0x1D80, s23;
	v51 =	vadd.s32 $0x360, v16;
	[tilespmem:s3+$0x0] =	vst v28  }
0x242: {  	s31 =	sor.u32 s22, s28;
	v28 =	vld.idx.msk [tilespmem:v34+s2+$0x0], $0xffff  }
0x243: {  	s4 =	sadd.s32 $0x2180, s20;
	s0 =	sor.u32 s21, s28;
	[tilespmem:s31+$0x0] =	vst v1  }
0x244: {  	s5 =	sor.u32 s19, s4;
	v1 =	vld.idx.msk [tilespmem:v49+s2+$0x0], $0xffff;
	[tilespmem:s0+$0x0] =	vst v2  }
0x245: {  	v52 =	vadd.s32 $0x360, v25;
	[tilespmem:s5+$0x0] =	vst v4;
	v2 =	vld.idx.msk [tilespmem:v50+s2+$0x0], $0xffff  }
0x246: {  	v62 =	vadd.s32 $0x360, v9;
	s9 =	sor.u32 s18, s4;
	v4 =	vld.idx.msk [tilespmem:v51+s2+$0x0], $0xffff  }
0x247: {  	v63 =	vadd.s32 $0x380, v16;
	s6 =	sadd.s32 $0x2180, s23;
	[tilespmem:s9+$0x0] =	vst v28  }
0x248: {  	s8 =	sor.u32 s22, s6;
	v28 =	vld.idx.msk [tilespmem:v29+s2+$0x0], $0xffff  }
0x249: {  	s10 =	sadd.s32 $0x2580, s20;
	s0 =	sor.u32 s21, s6;
	[tilespmem:s8+$0x0] =	vst v1  }
0x24a: {  	s12 =	sor.u32 s19, s10;
	v1 =	vld.idx.msk [tilespmem:v52+s2+$0x0], $0xffff;
	[tilespmem:s0+$0x0] =	vst v2  }
0x24b: {  	v10 =	vadd.s32 $0x380, v25;
	[tilespmem:s12+$0x0] =	vst v4;
	v2 =	vld.idx.msk [tilespmem:v62+s2+$0x0], $0xffff  }
0x24c: {  	v12 =	vadd.s32 $0x380, v9;
	s26 =	sor.u32 s18, s10;
	v4 =	vld.idx.msk [tilespmem:v63+s2+$0x0], $0xffff  }
0x24d: {  	v14 =	vadd.s32 $0x3A0, v16;
	s13 =	sadd.s32 $0x2580, s23;
	[tilespmem:s26+$0x0] =	vst v28  }
0x24e: {  	s25 =	sor.u32 s22, s13;
	v24 =	vld.idx.msk [tilespmem:v24+s2+$0x0], $0xffff  }
0x24f: {  	s28 =	sadd.s32 $0x2980, s20;
	s0 =	sor.u32 s21, s13;
	[tilespmem:s25+$0x0] =	vst v1  }
0x250: {  	s31 =	sor.u32 s19, s28;
	v1 =	vld.idx.msk [tilespmem:v10+s2+$0x0], $0xffff;
	[tilespmem:s0+$0x0] =	vst v2  }
0x251: {  	v15 =	vadd.s32 $0x3A0, v25;
	[tilespmem:s31+$0x0] =	vst v4;
	v2 =	vld.idx.msk [tilespmem:v12+s2+$0x0], $0xffff  }
0x252: {  	v19 =	vadd.s32 $0x3A0, v9;
	s6 =	sor.u32 s18, s28;
	v4 =	vld.idx.msk [tilespmem:v14+s2+$0x0], $0xffff  }
0x253: {  	v30 =	vadd.s32 $0x3C0, v16;
	s4 =	sadd.s32 $0x2980, s23;
	[tilespmem:s6+$0x0] =	vst v24  }
0x254: {  	s5 =	sor.u32 s22, s4;
	v22 =	vld.idx.msk [tilespmem:v22+s2+$0x0], $0xffff  }
0x255: {  	s8 =	sadd.s32 $0x2D80, s20;
	s0 =	sor.u32 s21, s4;
	[tilespmem:s5+$0x0] =	vst v1  }
0x256: {  	s9 =	sor.u32 s19, s8;
	v1 =	vld.idx.msk [tilespmem:v15+s2+$0x0], $0xffff;
	[tilespmem:s0+$0x0] =	vst v2  }
0x257: {  	v31 =	vadd.s32 $0x3C0, v25;
	[tilespmem:s9+$0x0] =	vst v4;
	v2 =	vld.idx.msk [tilespmem:v19+s2+$0x0], $0xffff  }
0x258: {  	v32 =	vadd.s32 $0x3C0, v9;
	v4 =	vld.idx.msk [tilespmem:v30+s2+$0x0], $0xffff;
	s25 =	sor.u32 s18, s8  }
0x259: {  	v34 =	vadd.s32 $0x3E0, v16;
	s10 =	sor.u32 s16, s30;
	s12 =	sadd.s32 $0x2D80, s23;
	[tilespmem:s25+$0x0] =	vst v22  }
0x25a: {  	[tilespmem:s10+$0x0] =	vst v44;
	s13 =	sor.u32 s22, s12;
	v20 =	vld.idx.msk [tilespmem:v20+s2+$0x0], $0xffff  }
0x25b: {  	v33 =	vld.idx.msk [tilespmem:v45+s2+$0x0], $0xffff;
	s26 =	sadd.s32 $0x3180, s20;
	s28 =	sor.u32 s21, s12;
	[tilespmem:s13+$0x0] =	vst v1  }
0x25c: {  	v35 =	vadd.s32 $0x440, v0;
	s31 =	sor.u32 s19, s26;
	v3 =	vld.idx.msk [tilespmem:v31+s2+$0x0], $0xffff;
	[tilespmem:s28+$0x0] =	vst v2  }
0x25d: {  	v36 =	vadd.s32 $0x3E0, v25;
	[tilespmem:s31+$0x0] =	vst v4;
	v2 =	vld.idx.msk [tilespmem:v32+s2+$0x0], $0xffff  }
0x25e: {  	[tilespmem:s29+$0x0] =	vst v43;
	v38 =	vadd.s32 $0x3E0, v9;
	s9 =	sor.u32 s18, s26;
	v4 =	vld.idx.msk [tilespmem:v34+s2+$0x0], $0xffff;
	s5 =	sadd.s32 $0x3D80, s17  }
0x25f: {  	v40 =	vadd.s32 $0x400, v16;
	s6 =	sadd.s32 $0x3180, s23;
	s4 =	sor.u32 s16, s5;
	v15 =	vld.idx.msk [tilespmem:v7+s2+$0x0], $0xffff;
	[tilespmem:s9+$0x0] =	vst v20  }
0x260: {  	s8 =	sor.u32 s22, s6;
	[tilespmem:s4+$0x0] =	vst v33;
	v19 =	vld.idx.msk [tilespmem:v8+s2+$0x0], $0xffff  }
0x261: {  	s10 =	sadd.s32 $0x3580, s20;
	s12 =	sor.u32 s21, s6;
	v1 =	vld.idx.msk [tilespmem:v35+s2+$0x0], $0xffff;
	[tilespmem:s8+$0x0] =	vst v3  }
0x262: {  	v41 =	vadd.s32 $0x460, v0;
	s13 =	sor.u32 s19, s10;
	v22 =	vld.idx.msk [tilespmem:v36+s2+$0x0], $0xffff;
	[tilespmem:s12+$0x0] =	vst v2  }
0x263: {  	v42 =	vadd.s32 $0x400, v25;
	[tilespmem:s13+$0x0] =	vst v4;
	v2 =	vld.idx.msk [tilespmem:v38+s2+$0x0], $0xffff  }
0x264: {  	v43 =	vadd.s32 $0x400, v9;
	s29 =	sor.u32 s18, s10;
	s4 =	sadd.s32 $0x4180, s17;
	[tilespmem:s11+$0x0] =	vst v15;
	v4 =	vld.idx.msk [tilespmem:v40+s2+$0x0], $0xffff  }
0x265: {  	v44 =	vadd.s32 $0x420, v16;
	v14 =	vld.idx.msk [tilespmem:v5+s2+$0x0], $0xffff;
	s26 =	sadd.s32 $0x3580, s23;
	s25 =	sor.u32 s16, s4;
	[tilespmem:s29+$0x0] =	vst v19  }
0x266: {  	s28 =	sor.u32 s22, s26;
	v47 =	vld.idx.msk [tilespmem:v39+s2+$0x0], $0xffff;
	[tilespmem:s25+$0x0] =	vst v1  }
0x267: {  	s31 =	sadd.s32 $0x3980, s20;
	s9 =	sor.u32 s21, s26;
	v3 =	vld.idx.msk [tilespmem:v41+s2+$0x0], $0xffff;
	[tilespmem:s28+$0x0] =	vst v22  }
0x268: {  	s6 =	sor.u32 s19, s31;
	v20 =	vld.idx.msk [tilespmem:v42+s2+$0x0], $0xffff;
	[tilespmem:s9+$0x0] =	vst v2  }
0x269: {  	v46 =	vadd.s32 $0x420, v25;
	s8 =	sor.u32 s15, s30;
	[tilespmem:s6+$0x0] =	vst v4;
	v1 =	vld.idx.msk [tilespmem:v43+s2+$0x0], $0xffff  }
0x26a: {  	s1 =	sadd.s32 $0x4580, s17;
	v48 =	vadd.s32 $0x420, v9;
	s13 =	sor.u32 s18, s31;
	[tilespmem:s8+$0x0] =	vst v14;
	v49 =	vld.idx.msk [tilespmem:v44+s2+$0x0], $0xffff  }
0x26b: {  	v45 =	vadd.s32 $0x480, v0;
	s10 =	sor.u32 s16, s1;
	s11 =	sadd.s32 $0x3980, s23;
	[tilespmem:s13+$0x0] =	vst v47;
	v12 =	vld.idx.msk [tilespmem:v61+s2+$0x0], $0xffff  }
0x26c: {  	v51 =	vadd.s32 $0x440, v16;
	s12 =	sor.u32 s22, s11;
	v44 =	vld.idx.msk [tilespmem:v57+s2+$0x0], $0xffff;
	[tilespmem:s10+$0x0] =	vst v3  }
0x26d: {  	s26 =	sor.u32 s21, s11;
	s25 =	sadd.s32 $0x3D80, s20;
	v22 =	vld.idx.msk [tilespmem:v23+s2+$0x0], $0xffff;
	[tilespmem:s12+$0x0] =	vst v20  }
0x26e: {  	s28 =	sor.u32 s19, s25;
	v19 =	vld.idx.msk [tilespmem:v46+s2+$0x0], $0xffff;
	[tilespmem:s26+$0x0] =	vst v1  }
0x26f: {  	v62 =	vadd.s32 $0x440, v25;
	s5 =	sor.u32 s15, s5;
	[tilespmem:s28+$0x0] =	vst v49;
	v1 =	vld.idx.msk [tilespmem:v48+s2+$0x0], $0xffff  }
0x270: {  	v63 =	vadd.s32 $0x440, v9;
	v50 =	vld.idx.msk [tilespmem:v45+s2+$0x0], $0xffff;
	[tilespmem:s5+$0x0] =	vst v12  }
0x271: {  	v52 =	vadd.s32 $0x4A0, v0;
	s30 =	sadd.s32 $0x3D80, s23;
	s8 =	sor.u32 s18, s25;
	[tilespmem:s14+$0x0] =	vst v44;
	v3 =	vld.idx.msk [tilespmem:v51+s2+$0x0], $0xffff  }
0x272: {  	v7 =	vadd.s32 $0x460, v16;
	s31 =	sor.u32 s22, s30;
	v10 =	vld.idx.msk [tilespmem:v60+s2+$0x0], $0xffff;
	[tilespmem:s8+$0x0] =	vst v22  }
0x273: {  	s3 =	sadd.s32 $0x4980, s17;
	s10 =	sor.u32 s21, s30;
	v28 =	vld.idx.msk [tilespmem:v21+s2+$0x0], $0xffff;
	[tilespmem:s31+$0x0] =	vst v19  }
0x274: {  	s29 =	sor.u32 s16, s3;
	s9 =	sadd.s32 $0x4180, s20;
	v26 =	vld.idx.msk [tilespmem:v62+s2+$0x0], $0xffff;
	[tilespmem:s10+$0x0] =	vst v1  }
0x275: {  	v27 =	vadd.s32 $0x460, v25;
	s11 =	sor.u32 s19, s9;
	[tilespmem:s29+$0x0] =	vst v50;
	v1 =	vld.idx.msk [tilespmem:v63+s2+$0x0], $0xffff  }
0x276: {  	v29 =	vadd.s32 $0x460, v9;
	s4 =	sor.u32 s15, s4;
	v4 =	vld.idx.msk [tilespmem:v52+s2+$0x0], $0xffff;
	[tilespmem:s11+$0x0] =	vst v3  }
0x277: {  	v24 =	vadd.s32 $0x4C0, v0;
	s13 =	sadd.s32 $0x4180, s23;
	[tilespmem:s4+$0x0] =	vst v10;
	s26 =	sor.u32 s18, s9;
	v3 =	vld.idx.msk [tilespmem:v7+s2+$0x0], $0xffff  }
0x278: {  	v30 =	vadd.s32 $0x480, v16;
	s25 =	sor.u32 s22, s13;
	v33 =	vld.idx.msk [tilespmem:v59+s2+$0x0], $0xffff;
	[tilespmem:s26+$0x0] =	vst v28  }
0x279: {  	s5 =	sadd.s32 $0x4D80, s17;
	s29 =	sor.u32 s21, s13;
	v35 =	vld.idx.msk [tilespmem:v18+s2+$0x0], $0xffff;
	[tilespmem:s25+$0x0] =	vst v26  }
0x27a: {  	s28 =	sadd.s32 $0x4580, s20;
	s12 =	sor.u32 s16, s5;
	v32 =	vld.idx.msk [tilespmem:v27+s2+$0x0], $0xffff;
	[tilespmem:s29+$0x0] =	vst v1  }
0x27b: {  	v34 =	vadd.s32 $0x480, v25;
	s30 =	sor.u32 s19, s28;
	[tilespmem:s12+$0x0] =	vst v4;
	v1 =	vld.idx.msk [tilespmem:v29+s2+$0x0], $0xffff  }
0x27c: {  	v36 =	vadd.s32 $0x480, v9;
	s11 =	sor.u32 s15, s1;
	v4 =	vld.idx.msk [tilespmem:v24+s2+$0x0], $0xffff;
	[tilespmem:s30+$0x0] =	vst v3  }
0x27d: {  	v31 =	vadd.s32 $0x4E0, v0;
	s9 =	sadd.s32 $0x4580, s23;
	s12 =	sor.u32 s18, s28;
	[tilespmem:s11+$0x0] =	vst v33;
	v3 =	vld.idx.msk [tilespmem:v30+s2+$0x0], $0xffff  }
0x27e: {  	v38 =	vadd.s32 $0x4A0, v16;
	s10 =	sor.u32 s22, s9;
	v40 =	vld.idx.msk [tilespmem:v58+s2+$0x0], $0xffff;
	[tilespmem:s12+$0x0] =	vst v35  }
0x27f: {  	s4 =	sadd.s32 $0x5180, s17;
	s6 =	sor.u32 s21, s9;
	v42 =	vld.idx.msk [tilespmem:v17+s2+$0x0], $0xffff;
	[tilespmem:s10+$0x0] =	vst v32  }
0x280: {  	s13 =	sadd.s32 $0x4980, s20;
	s31 =	sor.u32 s16, s4;
	v39 =	vld.idx.msk [tilespmem:v34+s2+$0x0], $0xffff;
	[tilespmem:s6+$0x0] =	vst v1  }
0x281: {  	v41 =	vadd.s32 $0x4A0, v25;
	s26 =	sor.u32 s19, s13;
	[tilespmem:s31+$0x0] =	vst v4;
	v2 =	vld.idx.msk [tilespmem:v36+s2+$0x0], $0xffff  }
0x282: {  	s3 =	sor.u32 s15, s3;
	v43 =	vadd.s32 $0x4A0, v9;
	v0 =	vld.idx.msk [tilespmem:v31+s2+$0x0], $0xffff;
	[tilespmem:s26+$0x0] =	vst v3  }
0x283: {  	s0 =	sor.u32 s18, s13;
	s29 =	sadd.s32 $0x4980, s23;
	[tilespmem:s3+$0x0] =	vst v40;
	v3 =	vld.idx.msk [tilespmem:v38+s2+$0x0], $0xffff  }
0x284: {  	v45 =	vadd.s32 $0x4C0, v16;
	s30 =	sor.u32 s22, s29;
	v6 =	vld.idx.msk [tilespmem:v6+s2+$0x0], $0xffff;
	[tilespmem:s0+$0x0] =	vst v42  }
0x285: {  	s25 =	sadd.s32 $0x5580, s17;
	s8 =	sor.u32 s21, s29;
	v48 =	vld.idx.msk [tilespmem:v37+s2+$0x0], $0xffff;
	[tilespmem:s30+$0x0] =	vst v39  }
0x286: {  	s31 =	sadd.s32 $0x4D80, s20;
	s28 =	sor.u32 s16, s25;
	v46 =	vld.idx.msk [tilespmem:v41+s2+$0x0], $0xffff;
	[tilespmem:s8+$0x0] =	vst v2  }
0x287: {  	v47 =	vadd.s32 $0x4C0, v25;
	s9 =	sor.u32 s19, s31;
	[tilespmem:s28+$0x0] =	vst v0;
	v0 =	vld.idx.msk [tilespmem:v43+s2+$0x0], $0xffff  }
0x288: {  	v49 =	vadd.s32 $0x4C0, v9;
	v51 =	vld.idx.msk [tilespmem:v54+s2+$0x0], $0xffff;
	s5 =	sor.u32 s15, s5;
	[tilespmem:s9+$0x0] =	vst v3  }
0x289: {  	s0 =	sor.u32 s18, s31;
	s10 =	sadd.s32 $0x4D80, s23;
	[tilespmem:s5+$0x0] =	vst v6;
	v50 =	vld.idx.msk [tilespmem:v45+s2+$0x0], $0xffff  }
0x28a: {  	v52 =	vadd.s32 $0x4E0, v16;
	s11 =	sor.u32 s22, s10;
	v54 =	vld.idx.msk [tilespmem:v56+s2+$0x0], $0xffff;
	[tilespmem:s0+$0x0] =	vst v48  }
0x28b: {  	s3 =	sor.u32 s21, s10;
	v57 =	vld.idx.msk [tilespmem:v13+s2+$0x0], $0xffff;
	[tilespmem:s11+$0x0] =	vst v46  }
0x28c: {  	s12 =	sadd.s32 $0x5180, s20;
	v1 =	vld.idx.msk [tilespmem:v47+s2+$0x0], $0xffff;
	[tilespmem:s3+$0x0] =	vst v0  }
0x28d: {  	[tilespmem:s7+$0x0] =	vst v51;
	s13 =	sor.u32 s19, s12;
	v56 =	vadd.s32 $0x4E0, v25;
	v3 =	vld.idx.msk [tilespmem:v49+s2+$0x0], $0xffff  }
0x28e: {  	v60 =	vld.idx.msk [tilespmem:v53+s2+$0x0], $0xffff;
	s4 =	sor.u32 s15, s4;
	v58 =	vadd.s32 $0x4E0, v9;
	[tilespmem:s13+$0x0] =	vst v50  }
0x28f: {  	s14 =	sadd.s32 $0x5180, s23;
	s0 =	sor.u32 s18, s12;
	[tilespmem:s4+$0x0] =	vst v54;
	v59 =	vld.idx.msk [tilespmem:v52+s2+$0x0], $0xffff  }
0x290: {  	s16 =	sor.u32 s22, s14;
	v62 =	vld.idx.msk [tilespmem:v55+s2+$0x0], $0xffff;
	[tilespmem:s0+$0x0] =	vst v57  }
0x291: {  	v63 =	vld.idx.msk [tilespmem:v11+s2+$0x0], $0xffff;
	s3 =	sor.u32 s21, s14;
	[tilespmem:s16+$0x0] =	vst v1  }
0x292: {  	s17 =	sadd.s32 $0x5580, s20;
	v61 =	vld.idx.msk [tilespmem:v56+s2+$0x0], $0xffff;
	[tilespmem:s3+$0x0] =	vst v3  }
0x293: {  	[tilespmem:s24+$0x0] =	vst v60;
	s19 =	sor.u32 s19, s17;
	v4 =	vld.idx.msk [tilespmem:v58+s2+$0x0], $0xffff  }
0x294: {  	s1 =	sor.u32 s15, s25;
	[tilespmem:s19+$0x0] =	vst v59  }
0x295: {  	s20 =	sadd.s32 $0x5580, s23;
	s0 =	sor.u32 s18, s17;
	[tilespmem:s1+$0x0] =	vst v62  }
0x296: {  	s23 =	sor.u32 s22, s20;
	[tilespmem:s0+$0x0] =	vst v63  }
0x297: {  	s24 =	sor.u32 s21, s20;
	[tilespmem:s23+$0x0] =	vst v61  }
0x298: {  	s25 =	simm.s32 $0x400;
	s26 =	simm.s32 $0x8000;
	[tilespmem:s24+$0x0] =	vst v4  }
0x299: {  	s29 =	simm.s32 $0x3;
	s28 =	simm.s32 $0x900;
	s0 =	rddreg [dreg:$0x9]  }
0x29a: {  	[hbm4b:s0+s25] =	stream.strided.scatter [tilespmem:s28], [sflag:$0x3], $0x5000, s26, s25, $0x38;
	[tilespmem:$0x5900] =	vst v63  }
0x29b: {  	_ =	swait.ge [sflag:s29], $0x5000  }
0x29c: {  	s30 =	rddreg [dreg:$0xb]  }
0x29d: {  	s31 =	rddreg [dreg:$0xa];
	s3 =	sadd.s32 $0x1, s30  }
0x29e: {  	p0 =	sne.s32 s3, s31  }
.Ltmp1:
0x29f: {  	_ = 	snop;
	(pc) =	sbr.rel @p0 .LBB2_1-.Ltmp1, $3  }
0x2a0: {  	_ =	sdelay $0x1  }
0x2a1: {  	[sflag:s29] =	ssyncset.done $0x0  }
0x2a2: {  	[sflag:s29] =	ssyncadd.s32 $0xFFFFB000  }
0x2a3: {  	_ =	sfence.sel $0x180000  }
0x2a4: {  	[bflag:$0x0] =	sbarrier.arrive $0xFFFF  }
0x2a5: {  	_ =	strace $0x90000047  }
0x2a6: {  	s0 =	stileid.u32;
	[bflag:$0x2] =	sbarrier.arrive $0xFFFF  }
0x2a7: {  	p0 =	sne.s32 s0, $0x0;
	s0 =	rddreg [dreg:$0x3]  }
0x2a8: {  	s0 =	sadd.s32 @!p0 $0x100000, s0  }
0x2a9: {  	[sflag:s0] =	ssyncadd.tile.s32 @!p0 $0x1;
	_ =	shalt  }
.Lfunc_end2:
_tile_overlayer_lowered:
.L_overlay_start_2:
0x2aa: {  	(tag) =	ssettag $0x2  }
0x2ab: {  	s0 =	rddreg [dreg:$0x0];
	s2 =	stileid.u32  }
0x2ac: {  	s1 =	rddreg [dreg:$0x1];
	p0 =	sne.s32 s2, $0x0  }
0x2ad: {  	s3 =	rddreg [dreg:$0x2];
	[bflag:$0x3] =	sbarrier.arrive $0xFFFF;
	s2 =	simm.s32 @!p0 $0x1C03  }
0x2ae: {  	[timem:s3], [sflag:s2] =	dma.local @!p0 [hbm:s0], s1  }
0x2af: {  	s0 =	simm.s32 @!p0 $0x3  }
0x2b0: {  	_ =	swait.ge @!p0 [sflag:s0], s1  }
0x2b1: {  	s1 =	ssub.s32 @!p0 $0x0, s1;
	[sflag:s0] =	ssyncset.done @!p0 $0x0  }
0x2b2: {  	[sflag:s0] =	ssyncadd.s32 @!p0 s1  }
0x2b3: {  	[bflag:$0x3] =	sbarrier.arrive $0xFFFF  }
0x2b4: {  	_ =	shalt  }

</sc_bundles>
